<compile_context>
chip_gen: v7x
topology: tpu7x:2x2x1
jax: 0.10.2.dev20260603
libtpu: 0.0.44.dev20260713+nightly
codegen_flags: <defaults>
</compile_context>

<pallas_src>
import functools

import jax
import jax.numpy as jnp
from jax import lax
from jax.experimental import pallas as pl
from jax.experimental.pallas import tpu as pltpu
from jax.experimental.pallas import tpu_sc as plsc

N = 10000
D = 128
DE = 16
E = 320000
CH = 128
GC = 2
CT = 2560
EPAD = CT * CH
NG = CT // GC
NACC = 10112
ZROWS = NACC // 16
G1 = NG // 16
G2 = NG // 32

_f32 = jnp.float32


def _sweep(tbl_hbm, idx2_hbm, acc, idxA, idxB, rows, gsem, ssem,
           slab, gbase, ngrp, stride=1, linear_src=None):
    dummy = tbl_hbm.at[pl.ds(0, CH)] if linear_src is None else \
        linear_src.at[pl.ds(0, CH)]

    def issue(buf_idx, b, g):
        if linear_src is None:
            pltpu.async_copy(tbl_hbm.at[buf_idx.at[b]], rows[b], gsem[b])
        else:
            chunk = g * GC + b
            pltpu.async_copy(linear_src.at[pl.ds(chunk * CH, CH)],
                             rows[b], gsem[b])

    st = stride

    pltpu.sync_copy(idx2_hbm.at[slab, gbase], idxA)
    for b in range(GC):
        issue(idxA, b, gbase)

    def half(g, X, Y):
        pltpu.sync_copy(idx2_hbm.at[slab, g + st], Y)
        for b in range(GC):
            pltpu.make_async_copy(dummy, rows[b], gsem[b]).wait()
            pltpu.async_copy(rows[b], acc.at[X.at[GC + b]], ssem[b],
                             add=True).wait()
            issue(Y, b, g + st)

    def body(i, carry):
        g = gbase + 2 * st * i
        half(g, idxA, idxB)
        half(g + st, idxB, idxA)
        return carry

    lax.fori_loop(0, ngrp // 2, body, 0)
    for b in range(GC):
        pltpu.make_async_copy(dummy, rows[b], gsem[b]).wait()


def _sc_pass1(xh_hbm, ef_hbm, idx2_hbm, z128_hbm,
              sxh_out, se_out,
              acc128, idxA, idxB, r0b, r1b,
              gs0, gs1, ss0, ss1):
    c = lax.axis_index("c")
    s = lax.axis_index("s")
    rows = [r0b, r1b]
    gsem = [gs0, gs1]
    ssem = [ss0, ss1]
    r0 = s * ZROWS
    pltpu.sync_copy(z128_hbm.at[pl.ds(r0, ZROWS)], acc128.at[pl.ds(r0, ZROWS)])
    plsc.subcore_barrier()

    _sweep(xh_hbm, idx2_hbm, acc128, idxA, idxB, rows, gsem, ssem,
           slab=c, gbase=s * G1, ngrp=G1)
    plsc.subcore_barrier()
    pltpu.sync_copy(acc128.at[pl.ds(r0, ZROWS)], sxh_out.at[c, pl.ds(r0, ZROWS)])

    pltpu.sync_copy(z128_hbm.at[pl.ds(r0, ZROWS)], acc128.at[pl.ds(r0, ZROWS)])
    plsc.subcore_barrier()
    _sweep(xh_hbm, idx2_hbm, acc128, idxA, idxB, rows, gsem, ssem,
           slab=0, gbase=s * 2 * G2 + c, ngrp=G2, stride=2, linear_src=ef_hbm)
    plsc.subcore_barrier()
    pltpu.sync_copy(acc128.at[pl.ds(r0, ZROWS)], se_out.at[c, pl.ds(r0, ZROWS)])


def _sc_pass2(g_hbm, idx2_hbm, z128_hbm,
              sg_out,
              acc128, idxA, idxB, r0b, r1b,
              gs0, gs1, ss0, ss1):
    c = lax.axis_index("c")
    s = lax.axis_index("s")
    rows = [r0b, r1b]
    gsem = [gs0, gs1]
    ssem = [ss0, ss1]
    r0 = s * ZROWS
    pltpu.sync_copy(z128_hbm.at[pl.ds(r0, ZROWS)], acc128.at[pl.ds(r0, ZROWS)])
    plsc.subcore_barrier()

    _sweep(g_hbm, idx2_hbm, acc128, idxA, idxB, rows, gsem, ssem,
           slab=0, gbase=s * 2 * G2 + c, ngrp=G2, stride=2)
    plsc.subcore_barrier()
    pltpu.sync_copy(acc128.at[pl.ds(r0, ZROWS)], sg_out.at[c, pl.ds(r0, ZROWS)])


_SC_SCRATCH = [
    pltpu.VMEM_SHARED((NACC, D), _f32),
    pltpu.VMEM((2 * GC, CH), jnp.int32),
    pltpu.VMEM((2 * GC, CH), jnp.int32),
    pltpu.VMEM((CH, D), _f32),
    pltpu.VMEM((CH, D), _f32),
    pltpu.SemaphoreType.DMA,
    pltpu.SemaphoreType.DMA,
    pltpu.SemaphoreType.DMA,
    pltpu.SemaphoreType.DMA,
]


@functools.lru_cache(maxsize=1)
def _build_sc_kernels():
    mesh = plsc.VectorSubcoreMesh(core_axis_name="c", subcore_axis_name="s",
                                  num_cores=2, num_subcores=16)
    pass1 = functools.partial(
        pl.kernel,
        out_type=(
            jax.ShapeDtypeStruct((2, NACC, D), _f32),
            jax.ShapeDtypeStruct((2, NACC, D), _f32),
        ),
        mesh=mesh,
        scratch_types=list(_SC_SCRATCH),
    )(_sc_pass1)
    pass2 = functools.partial(
        pl.kernel,
        out_type=jax.ShapeDtypeStruct((2, NACC, D), _f32),
        mesh=mesh,
        scratch_types=list(_SC_SCRATCH),
    )(_sc_pass2)
    return pass1, pass2


BR = 400
GRID = N // BR


def _tc1_body(x, h, sxh0, sxh1, sea, seb, w1, w3, w5, w2, w4, wshh, bv,
              z_o, g_o, t2_o):
    se = sea[0] + seb[0]
    u = (jnp.dot(x[...], w1[...], preferred_element_type=_f32)
         + jnp.dot(sxh0[0], w3[...], preferred_element_type=_f32)
         + jnp.dot(se, w5[...], preferred_element_type=_f32)
         + bv[...])
    u2 = (u[:, 0:2 * D]
          + jnp.dot(h[...], w2[...], preferred_element_type=_f32)
          + jnp.dot(sxh1[0], w4[...], preferred_element_type=_f32))
    z = jax.nn.sigmoid(u2[:, 0:D])
    r = jax.nn.sigmoid(u2[:, D:2 * D])
    g = h[...] * r
    z_o[...] = z
    g_o[...] = g
    t2_o[...] = u[:, 2 * D:3 * D] + jnp.dot(g, wshh[...], preferred_element_type=_f32)


_row_spec = pl.BlockSpec((BR, D), lambda i: (i, 0))
_slab0_spec = pl.BlockSpec((1, BR, D), lambda i: (0, i, 0))
_slab1_spec = pl.BlockSpec((1, BR, D), lambda i: (1, i, 0))

_tc1 = pl.pallas_call(
    _tc1_body,
    grid=(GRID,),
    in_specs=[
        _row_spec,
        _row_spec,
        _slab0_spec,
        _slab1_spec,
        _slab0_spec,
        _slab1_spec,
        pl.BlockSpec((D, 3 * D), lambda i: (0, 0)),
        pl.BlockSpec((D, 3 * D), lambda i: (0, 0)),
        pl.BlockSpec((D, 3 * D), lambda i: (0, 0)),
        pl.BlockSpec((D, 2 * D), lambda i: (0, 0)),
        pl.BlockSpec((D, 2 * D), lambda i: (0, 0)),
        pl.BlockSpec((D, D), lambda i: (0, 0)),
        pl.BlockSpec((1, 3 * D), lambda i: (0, 0)),
    ],
    out_specs=[_row_spec, _row_spec, _row_spec],
    out_shape=[
        jax.ShapeDtypeStruct((N, D), _f32),
        jax.ShapeDtypeStruct((N, D), _f32),
        jax.ShapeDtypeStruct((N, D), _f32),
    ],
)


def _tc2_body(z, h, t2, sga, sgb, wmhh, out):
    sg = sga[0] + sgb[0]
    ht = jnp.tanh(t2[...] + jnp.dot(sg, wmhh[...], preferred_element_type=_f32))
    out[...] = z[...] * h[...] + (1.0 - z[...]) * ht


_tc2 = pl.pallas_call(
    _tc2_body,
    grid=(GRID,),
    in_specs=[
        _row_spec,
        _row_spec,
        _row_spec,
        _slab0_spec,
        _slab1_spec,
        pl.BlockSpec((D, D), lambda i: (0, 0)),
    ],
    out_specs=_row_spec,
    out_shape=jax.ShapeDtypeStruct((N, D), _f32),
)


def kernel(node_feature, edge_index, edge_feature, H,
           Wm_xz, Ws_xz, b_xz, Wm_hz, Ws_hz, b_hz,
           Wm_xr, Ws_xr, b_xr, Wm_hr, Ws_hr, b_hr,
           Wm_xh, Ws_xh, b_xh, Wm_hh, Ws_hh, b_hh):
    src = edge_index[0]
    dst = edge_index[1]
    pad = EPAD - E
    srcp = jnp.concatenate([src, jnp.zeros((pad,), jnp.int32)])
    dstp = jnp.concatenate([dst, jnp.full((pad,), N, jnp.int32)])
    s4 = srcp.reshape(NG, GC, CH)
    d4 = dstp.reshape(NG, GC, CH)
    idx2 = jnp.stack([jnp.concatenate([s4, d4], axis=1),
                      jnp.concatenate([s4 + N, d4], axis=1)])
    padgrp = jnp.concatenate([jnp.zeros((2, 2, GC, CH), jnp.int32),
                              jnp.full((2, 2, GC, CH), N, jnp.int32)], axis=2)
    idx2 = jnp.concatenate([idx2, padgrp], axis=1)
    efp = jnp.pad(edge_feature, ((0, pad + GC * CH), (0, D - DE)))
    xh = jnp.concatenate([node_feature, H], axis=0)
    z128 = jnp.zeros((NACC, D), _f32)

    sc1, sc2 = _build_sc_kernels()
    sxh, se2 = sc1(xh, efp, idx2, z128)

    w1 = jnp.concatenate([Ws_xz, Ws_xr, Ws_xh], axis=1)
    w3 = jnp.concatenate([Wm_xz[:D], Wm_xr[:D], Wm_xh[:D]], axis=1)
    w5 = jnp.concatenate([Wm_xz[D:] + Wm_hz[D:],
                          Wm_xr[D:] + Wm_hr[D:],
                          Wm_xh[D:] + Wm_hh[D:]], axis=1)
    w5 = jnp.pad(w5, ((0, D - DE), (0, 0)))
    w2 = jnp.concatenate([Ws_hz, Ws_hr], axis=1)
    w4 = jnp.concatenate([Wm_hz[:D], Wm_hr[:D]], axis=1)
    bv = jnp.concatenate([b_xz + b_hz, b_xr + b_hr, b_xh + b_hh]).reshape(1, 3 * D)

    z, g, t2 = _tc1(node_feature, H, sxh, sxh, se2, se2,
                    w1, w3, w5, w2, w4, Ws_hh, bv)

    sg2 = sc2(g, idx2, z128)

    return _tc2(z, H, t2, sg2, sg2, Wm_hh[:D])

# --- scband reference (transcript-rebuilt; emitter-appended) ---
"""Pipeline reference for scband-general-edge-conv-gru-43903155699865 (READ-ONLY COPY).

The authoritative reference and input builder live on the scoring server;
editing this copy changes nothing except your own understanding.
"""

import jax, jax.numpy as jnp
import numpy as np

N = 10000
E = 320000
D_IN = 128
D_OUT = 128
D_EDGE = 16
_NAMES = ["xz", "hz", "xr", "hr", "xh", "hh"]


def setup_inputs(seed: int = 0):
    key = jax.random.key(seed)
    inp = {}
    inp["node_feature"] = jax.random.normal(jax.random.fold_in(key, 1), (N, D_IN), dtype=jnp.float32)
    inp["edge_index"] = jax.random.randint(jax.random.fold_in(key, 2), (2, E), 0, N, dtype=jnp.int32)
    inp["edge_feature"] = jax.random.normal(jax.random.fold_in(key, 3), (E, D_EDGE), dtype=jnp.float32)
    inp["H"] = jax.random.normal(jax.random.fold_in(key, 4), (N, D_OUT), dtype=jnp.float32)
    for i, nm in enumerate(_NAMES):
        din = D_IN if nm[0] == "x" else D_OUT
        inp["Wm_" + nm] = jax.random.normal(jax.random.fold_in(key, 10 + 3 * i), (din + D_EDGE, D_OUT), dtype=jnp.float32) * 0.05
        inp["Ws_" + nm] = jax.random.normal(jax.random.fold_in(key, 11 + 3 * i), (din, D_OUT), dtype=jnp.float32) * 0.05
        inp["b_" + nm] = jnp.zeros((D_OUT,), dtype=jnp.float32)
    return inp


def _conv(x, ef, src, dst, Wm, Ws, b):
    # ResidualEdgeConvLayer (ROLAND): message = Linear([x_j, edge_feature]),
    # sum aggregation at dst, affine skip connection on x.
    msg = jnp.concatenate([x[src], ef], axis=1) @ Wm
    agg = jax.ops.segment_sum(msg, dst, num_segments=N)
    return agg + x @ Ws + b


def reference(node_feature, edge_index, edge_feature, H,
              Wm_xz, Ws_xz, b_xz, Wm_hz, Ws_hz, b_hz,
              Wm_xr, Ws_xr, b_xr, Wm_hr, Ws_hr, b_hr,
              Wm_xh, Ws_xh, b_xh, Wm_hh, Ws_hh, b_hh):
    src = edge_index[0]
    dst = edge_index[1]
    Z = jax.nn.sigmoid(_conv(node_feature, edge_feature, src, dst, Wm_xz, Ws_xz, b_xz)
                       + _conv(H, edge_feature, src, dst, Wm_hz, Ws_hz, b_hz))
    R = jax.nn.sigmoid(_conv(node_feature, edge_feature, src, dst, Wm_xr, Ws_xr, b_xr)
                       + _conv(H, edge_feature, src, dst, Wm_hr, Ws_hr, b_hr))
    H_tilde = jnp.tanh(_conv(node_feature, edge_feature, src, dst, Wm_xh, Ws_xh, b_xh)
                       + _conv(H * R, edge_feature, src, dst, Wm_hh, Ws_hh, b_hh))
    H_new = Z * H + (1.0 - Z) * H_tilde
    return H_new

if __name__ == "__main__":
    import jax
    _d = setup_inputs()
    print(jax.jit(kernel)(*tuple(_d.values())))

</pallas_src>

<mosaic_0001>
#map = affine_map<(d0, d1) -> (0, 0)>
#map1 = affine_map<(d0, d1) -> (0, 0, 0, 0)>
#map2 = affine_map<(d0, d1) -> (0, 0, 0)>
module attributes {stable_mosaic.version = 14 : i64} {
  func.func @_sc_pass1(%arg0: i32, %arg1: i32, %arg2: memref<20000x128xf32, #tpu.memory_space<hbm>>, %arg3: memref<327936x128xf32, #tpu.memory_space<hbm>>, %arg4: memref<2x1282x4x128xi32, #tpu.memory_space<hbm>>, %arg5: memref<10112x128xf32, #tpu.memory_space<hbm>>, %arg6: memref<2x10112x128xf32, #tpu.memory_space<hbm>>, %arg7: memref<2x10112x128xf32, #tpu.memory_space<hbm>>, %arg8: memref<10112x128xf32, #tpu.memory_space<vmem_shared>>, %arg9: memref<4x128xi32, #tpu.memory_space<vmem>>, %arg10: memref<4x128xi32, #tpu.memory_space<vmem>>, %arg11: memref<128x128xf32, #tpu.memory_space<vmem>>, %arg12: memref<128x128xf32, #tpu.memory_space<vmem>>, %arg13: memref<!tpu.dma_semaphore, #tpu.memory_space<semaphore_mem>>, %arg14: memref<!tpu.dma_semaphore, #tpu.memory_space<semaphore_mem>>, %arg15: memref<!tpu.dma_semaphore, #tpu.memory_space<semaphore_mem>>, %arg16: memref<!tpu.dma_semaphore, #tpu.memory_space<semaphore_mem>>) attributes {dimension_semantics = [#tpu.dimension_semantics<core_parallel>, #tpu.dimension_semantics<subcore_parallel>], iteration_bounds = array<i64: 2, 16>, scalar_prefetch = 0 : i64, scratch_operands = 9 : i64, tpu.core_type = #tpu.core_type<sc_vector_subcore>, window_params = [{transform_indices = #map}, {transform_indices = #map}, {transform_indices = #map1}, {transform_indices = #map}, {transform_indices = #map2}, {transform_indices = #map2}]} {
    %mul3A = arith.constant 632 : i32
    %mul3A_0 = arith.muli %arg1, %mul3A : i32
    "tpu.region"() ({
      %run_scoped3A_77 = tpu.sem_alloc : memref<!tpu.dma_semaphore, #tpu.memory_space<semaphore_mem>>
      %dma_start3A_78 = arith.constant 0 : i32
      %dma_start3A_79 = tpu.memref_slice %arg8[%mul3A_0, %dma_start3A_78] : memref<10112x128xf32, #tpu.memory_space<vmem_shared>> -> memref<632x128xf32, #tpu.memory_space<vmem_shared>>
      %dma_start3A_80 = arith.constant 0 : i32
      %dma_start3A_81 = tpu.memref_slice %arg5[%mul3A_0, %dma_start3A_80] : memref<10112x128xf32, #tpu.memory_space<hbm>> -> memref<632x128xf32, #tpu.memory_space<hbm>>
      tpu.enqueue_dma source(%dma_start3A_81 : memref<632x128xf32, #tpu.memory_space<hbm>>) target(%dma_start3A_79 : memref<632x128xf32, #tpu.memory_space<vmem_shared>>) target_semaphore(%run_scoped3A_77 : memref<!tpu.dma_semaphore, #tpu.memory_space<semaphore_mem>>)
      %dma_wait3A_82 = arith.constant 0 : i32
      %dma_wait3A_83 = tpu.memref_slice %arg8[%mul3A_0, %dma_wait3A_82] : memref<10112x128xf32, #tpu.memory_space<vmem_shared>> -> memref<632x128xf32, #tpu.memory_space<vmem_shared>>
      %dma_wait3A_84 = arith.constant 0 : i32
      %dma_wait3A_85 = tpu.memref_slice %arg5[%mul3A_0, %dma_wait3A_84] : memref<10112x128xf32, #tpu.memory_space<hbm>> -> memref<632x128xf32, #tpu.memory_space<hbm>>
      tpu.wait_dma2 semaphore(%run_scoped3A_77 : memref<!tpu.dma_semaphore, #tpu.memory_space<semaphore_mem>>) src(%dma_wait3A_85 : memref<632x128xf32, #tpu.memory_space<hbm>>) dst(%dma_wait3A_83 : memref<632x128xf32, #tpu.memory_space<vmem_shared>>)
      tpu.yield
    }) : () -> ()
    %barrier3A = arith.constant 0 : index
    tpu.barrier barrier_id(%barrier3A)
    %mul3A_1 = arith.constant 80 : i32
    %mul3A_2 = arith.muli %arg1, %mul3A_1 : i32
    "tpu.region"() ({
      %run_scoped3A_77 = tpu.sem_alloc : memref<!tpu.dma_semaphore, #tpu.memory_space<semaphore_mem>>
      %dma_start3A_78 = arith.constant 0 : i32
      %dma_start3A_79 = arith.constant 0 : i32
      %dma_start3A_80 = tpu.memref_slice %arg4[%arg0, %mul3A_2, %dma_start3A_78, %dma_start3A_79] : memref<2x1282x4x128xi32, #tpu.memory_space<hbm>> -> memref<1x1x4x128xi32, #tpu.memory_space<hbm>>
      %dma_start3A_81 = tpu.memref_squeeze %dma_start3A_80 : memref<1x1x4x128xi32, #tpu.memory_space<hbm>> -> memref<4x128xi32, #tpu.memory_space<hbm>>
      %dma_start3A_82 = arith.constant 0 : i32
      %dma_start3A_83 = arith.constant 0 : i32
      %dma_start3A_84 = tpu.memref_slice %arg4[%arg0, %mul3A_2, %dma_start3A_82, %dma_start3A_83] : memref<2x1282x4x128xi32, #tpu.memory_space<hbm>> -> memref<1x1x4x128xi32, #tpu.memory_space<hbm>>
      %dma_start3A_85 = tpu.memref_squeeze %dma_start3A_84 : memref<1x1x4x128xi32, #tpu.memory_space<hbm>> -> memref<4x128xi32, #tpu.memory_space<hbm>>
      tpu.enqueue_dma source(%dma_start3A_85 : memref<4x128xi32, #tpu.memory_space<hbm>>) target(%arg9 : memref<4x128xi32, #tpu.memory_space<vmem>>) target_semaphore(%run_scoped3A_77 : memref<!tpu.dma_semaphore, #tpu.memory_space<semaphore_mem>>)
      %dma_wait3A_86 = arith.constant 0 : i32
      %dma_wait3A_87 = arith.constant 0 : i32
      %dma_wait3A_88 = tpu.memref_slice %arg4[%arg0, %mul3A_2, %dma_wait3A_86, %dma_wait3A_87] : memref<2x1282x4x128xi32, #tpu.memory_space<hbm>> -> memref<1x1x4x128xi32, #tpu.memory_space<hbm>>
      %dma_wait3A_89 = tpu.memref_squeeze %dma_wait3A_88 : memref<1x1x4x128xi32, #tpu.memory_space<hbm>> -> memref<4x128xi32, #tpu.memory_space<hbm>>
      %dma_wait3A_90 = arith.constant 0 : i32
      %dma_wait3A_91 = arith.constant 0 : i32
      %dma_wait3A_92 = tpu.memref_slice %arg4[%arg0, %mul3A_2, %dma_wait3A_90, %dma_wait3A_91] : memref<2x1282x4x128xi32, #tpu.memory_space<hbm>> -> memref<1x1x4x128xi32, #tpu.memory_space<hbm>>
      %dma_wait3A_93 = tpu.memref_squeeze %dma_wait3A_92 : memref<1x1x4x128xi32, #tpu.memory_space<hbm>> -> memref<4x128xi32, #tpu.memory_space<hbm>>
      tpu.wait_dma2 semaphore(%run_scoped3A_77 : memref<!tpu.dma_semaphore, #tpu.memory_space<semaphore_mem>>) src(%dma_wait3A_93 : memref<4x128xi32, #tpu.memory_space<hbm>>) dst(%arg9 : memref<4x128xi32, #tpu.memory_space<vmem>>)
      tpu.yield
    }) : () -> ()
    %dma_start3A = arith.constant 0 : i32
    %dma_start3A_3 = arith.constant 0 : i32
    %dma_start3A_4 = tpu.memref_slice %arg9[%dma_start3A, %dma_start3A_3] : memref<4x128xi32, #tpu.memory_space<vmem>> -> memref<1x128xi32, #tpu.memory_space<vmem>>
    %dma_start3A_5 = tpu.memref_squeeze %dma_start3A_4 : memref<1x128xi32, #tpu.memory_space<vmem>> -> memref<128xi32, #tpu.memory_space<vmem>>
    %dma_start3A_6 = arith.constant 0 : i32
    %dma_start3A_7 = arith.constant 0 : i32
    %dma_start3A_8 = tpu.memref_slice %arg2[%dma_start3A_6, %dma_start3A_7] : memref<20000x128xf32, #tpu.memory_space<hbm>> -> memref<20000x128xf32, #tpu.memory_space<hbm>>
    tpu.enqueue_indirect_dma source(%dma_start3A_8 : memref<20000x128xf32, #tpu.memory_space<hbm>>) target(%arg11 : memref<128x128xf32, #tpu.memory_space<vmem>>) offsets(%dma_start3A_5 : memref<128xi32, #tpu.memory_space<vmem>>) semaphore(%arg13 : memref<!tpu.dma_semaphore, #tpu.memory_space<semaphore_mem>>)
    %dma_start3A_9 = arith.constant 1 : i32
    %dma_start3A_10 = arith.constant 0 : i32
    %dma_start3A_11 = tpu.memref_slice %arg9[%dma_start3A_9, %dma_start3A_10] : memref<4x128xi32, #tpu.memory_space<vmem>> -> memref<1x128xi32, #tpu.memory_space<vmem>>
    %dma_start3A_12 = tpu.memref_squeeze %dma_start3A_11 : memref<1x128xi32, #tpu.memory_space<vmem>> -> memref<128xi32, #tpu.memory_space<vmem>>
    %dma_start3A_13 = arith.constant 0 : i32
    %dma_start3A_14 = arith.constant 0 : i32
    %dma_start3A_15 = tpu.memref_slice %arg2[%dma_start3A_13, %dma_start3A_14] : memref<20000x128xf32, #tpu.memory_space<hbm>> -> memref<20000x128xf32, #tpu.memory_space<hbm>>
    tpu.enqueue_indirect_dma source(%dma_start3A_15 : memref<20000x128xf32, #tpu.memory_space<hbm>>) target(%arg12 : memref<128x128xf32, #tpu.memory_space<vmem>>) offsets(%dma_start3A_12 : memref<128xi32, #tpu.memory_space<vmem>>) semaphore(%arg14 : memref<!tpu.dma_semaphore, #tpu.memory_space<semaphore_mem>>)
    %scan3A = arith.constant 0 : i32
    %scan3A_16 = arith.constant 0 : i32
    %scan3A_17 = arith.constant 40 : i32
    %scan3A_18 = arith.addi %scan3A_16, %scan3A_17 : i32
    %scan3A_19 = arith.constant 1 : i32
    scf.for %scan3A_77 = %scan3A_16 to %scan3A_18 step %scan3A_19  : i32 {
      %mul3A_78 = arith.constant 2 : i32
      %mul3A_79 = arith.muli %mul3A_78, %scan3A_77 : i32
      %add3A_80 = arith.addi %mul3A_2, %mul3A_79 : i32
      %add3A_81 = arith.constant 1 : i32
      %add3A_82 = arith.addi %add3A_80, %add3A_81 : i32
      "tpu.region"() ({
        %run_scoped3A_203 = tpu.sem_alloc : memref<!tpu.dma_semaphore, #tpu.memory_space<semaphore_mem>>
        %dma_start3A_204 = arith.constant 0 : i32
        %dma_start3A_205 = arith.constant 0 : i32
        %dma_start3A_206 = tpu.memref_slice %arg4[%arg0, %add3A_82, %dma_start3A_204, %dma_start3A_205] : memref<2x1282x4x128xi32, #tpu.memory_space<hbm>> -> memref<1x1x4x128xi32, #tpu.memory_space<hbm>>
        %dma_start3A_207 = tpu.memref_squeeze %dma_start3A_206 : memref<1x1x4x128xi32, #tpu.memory_space<hbm>> -> memref<4x128xi32, #tpu.memory_space<hbm>>
        %dma_start3A_208 = arith.constant 0 : i32
        %dma_start3A_209 = arith.constant 0 : i32
        %dma_start3A_210 = tpu.memref_slice %arg4[%arg0, %add3A_82, %dma_start3A_208, %dma_start3A_209] : memref<2x1282x4x128xi32, #tpu.memory_space<hbm>> -> memref<1x1x4x128xi32, #tpu.memory_space<hbm>>
        %dma_start3A_211 = tpu.memref_squeeze %dma_start3A_210 : memref<1x1x4x128xi32, #tpu.memory_space<hbm>> -> memref<4x128xi32, #tpu.memory_space<hbm>>
        tpu.enqueue_dma source(%dma_start3A_211 : memref<4x128xi32, #tpu.memory_space<hbm>>) target(%arg10 : memref<4x128xi32, #tpu.memory_space<vmem>>) target_semaphore(%run_scoped3A_203 : memref<!tpu.dma_semaphore, #tpu.memory_space<semaphore_mem>>)
        %dma_wait3A_212 = arith.constant 0 : i32
        %dma_wait3A_213 = arith.constant 0 : i32
        %dma_wait3A_214 = tpu.memref_slice %arg4[%arg0, %add3A_82, %dma_wait3A_212, %dma_wait3A_213] : memref<2x1282x4x128xi32, #tpu.memory_space<hbm>> -> memref<1x1x4x128xi32, #tpu.memory_space<hbm>>
        %dma_wait3A_215 = tpu.memref_squeeze %dma_wait3A_214 : memref<1x1x4x128xi32, #tpu.memory_space<hbm>> -> memref<4x128xi32, #tpu.memory_space<hbm>>
        %dma_wait3A_216 = arith.constant 0 : i32
        %dma_wait3A_217 = arith.constant 0 : i32
        %dma_wait3A_218 = tpu.memref_slice %arg4[%arg0, %add3A_82, %dma_wait3A_216, %dma_wait3A_217] : memref<2x1282x4x128xi32, #tpu.memory_space<hbm>> -> memref<1x1x4x128xi32, #tpu.memory_space<hbm>>
        %dma_wait3A_219 = tpu.memref_squeeze %dma_wait3A_218 : memref<1x1x4x128xi32, #tpu.memory_space<hbm>> -> memref<4x128xi32, #tpu.memory_space<hbm>>
        tpu.wait_dma2 semaphore(%run_scoped3A_203 : memref<!tpu.dma_semaphore, #tpu.memory_space<semaphore_mem>>) src(%dma_wait3A_219 : memref<4x128xi32, #tpu.memory_space<hbm>>) dst(%arg10 : memref<4x128xi32, #tpu.memory_space<vmem>>)
        tpu.yield
      }) : () -> ()
      %dma_wait3A_83 = arith.constant 0 : i32
      %dma_wait3A_84 = arith.constant 0 : i32
      %dma_wait3A_85 = tpu.memref_slice %arg2[%dma_wait3A_83, %dma_wait3A_84] : memref<20000x128xf32, #tpu.memory_space<hbm>> -> memref<128x128xf32, #tpu.memory_space<hbm>>
      %dma_wait3A_86 = arith.constant 0 : i32
      %dma_wait3A_87 = arith.constant 0 : i32
      %dma_wait3A_88 = tpu.memref_slice %arg2[%dma_wait3A_86, %dma_wait3A_87] : memref<20000x128xf32, #tpu.memory_space<hbm>> -> memref<128x128xf32, #tpu.memory_space<hbm>>
      tpu.wait_dma2 semaphore(%arg13 : memref<!tpu.dma_semaphore, #tpu.memory_space<semaphore_mem>>) src(%dma_wait3A_88 : memref<128x128xf32, #tpu.memory_space<hbm>>) dst(%arg11 : memref<128x128xf32, #tpu.memory_space<vmem>>)
      %dma_start3A_89 = arith.constant 2 : i32
      %dma_start3A_90 = arith.constant 0 : i32
      %dma_start3A_91 = tpu.memref_slice %arg9[%dma_start3A_89, %dma_start3A_90] : memref<4x128xi32, #tpu.memory_space<vmem>> -> memref<1x128xi32, #tpu.memory_space<vmem>>
      %dma_start3A_92 = tpu.memref_squeeze %dma_start3A_91 : memref<1x128xi32, #tpu.memory_space<vmem>> -> memref<128xi32, #tpu.memory_space<vmem>>
      %dma_start3A_93 = arith.constant 0 : i32
      %dma_start3A_94 = arith.constant 0 : i32
      %dma_start3A_95 = tpu.memref_slice %arg8[%dma_start3A_93, %dma_start3A_94] : memref<10112x128xf32, #tpu.memory_space<vmem_shared>> -> memref<10112x128xf32, #tpu.memory_space<vmem_shared>>
      tpu.enqueue_indirect_dma source(%arg11 : memref<128x128xf32, #tpu.memory_space<vmem>>) target(%dma_start3A_95 : memref<10112x128xf32, #tpu.memory_space<vmem_shared>>) offsets(%dma_start3A_92 : memref<128xi32, #tpu.memory_space<vmem>>) semaphore(%arg15 : memref<!tpu.dma_semaphore, #tpu.memory_space<semaphore_mem>>) {add = true}
      %dma_wait3A_96 = arith.constant 2 : i32
      %dma_wait3A_97 = arith.constant 0 : i32
      %dma_wait3A_98 = tpu.memref_slice %arg9[%dma_wait3A_96, %dma_wait3A_97] : memref<4x128xi32, #tpu.memory_space<vmem>> -> memref<1x128xi32, #tpu.memory_space<vmem>>
      %dma_wait3A_99 = tpu.memref_squeeze %dma_wait3A_98 : memref<1x128xi32, #tpu.memory_space<vmem>> -> memref<128xi32, #tpu.memory_space<vmem>>
      %dma_wait3A_100 = arith.constant 0 : i32
      %dma_wait3A_101 = arith.constant 0 : i32
      %dma_wait3A_102 = tpu.memref_slice %arg8[%dma_wait3A_100, %dma_wait3A_101] : memref<10112x128xf32, #tpu.memory_space<vmem_shared>> -> memref<10112x128xf32, #tpu.memory_space<vmem_shared>>
      tpu.wait_indirect_dma semaphore(%arg15 : memref<!tpu.dma_semaphore, #tpu.memory_space<semaphore_mem>>) src(%arg11 : memref<128x128xf32, #tpu.memory_space<vmem>>) dst(%dma_wait3A_102 : memref<10112x128xf32, #tpu.memory_space<vmem_shared>>)
      %add3A_103 = arith.constant 1 : i32
      %add3A_104 = arith.addi %add3A_80, %add3A_103 : i32
      %dma_start3A_105 = arith.constant 0 : i32
      %dma_start3A_106 = arith.constant 0 : i32
      %dma_start3A_107 = tpu.memref_slice %arg10[%dma_start3A_105, %dma_start3A_106] : memref<4x128xi32, #tpu.memory_space<vmem>> -> memref<1x128xi32, #tpu.memory_space<vmem>>
      %dma_start3A_108 = tpu.memref_squeeze %dma_start3A_107 : memref<1x128xi32, #tpu.memory_space<vmem>> -> memref<128xi32, #tpu.memory_space<vmem>>
      %dma_start3A_109 = arith.constant 0 : i32
      %dma_start3A_110 = arith.constant 0 : i32
      %dma_start3A_111 = tpu.memref_slice %arg2[%dma_start3A_109, %dma_start3A_110] : memref<20000x128xf32, #tpu.memory_space<hbm>> -> memref<20000x128xf32, #tpu.memory_space<hbm>>
      tpu.enqueue_indirect_dma source(%dma_start3A_111 : memref<20000x128xf32, #tpu.memory_space<hbm>>) target(%arg11 : memref<128x128xf32, #tpu.memory_space<vmem>>) offsets(%dma_start3A_108 : memref<128xi32, #tpu.memory_space<vmem>>) semaphore(%arg13 : memref<!tpu.dma_semaphore, #tpu.memory_space<semaphore_mem>>)
      %dma_wait3A_112 = arith.constant 0 : i32
      %dma_wait3A_113 = arith.constant 0 : i32
      %dma_wait3A_114 = tpu.memref_slice %arg2[%dma_wait3A_112, %dma_wait3A_113] : memref<20000x128xf32, #tpu.memory_space<hbm>> -> memref<128x128xf32, #tpu.memory_space<hbm>>
      %dma_wait3A_115 = arith.constant 0 : i32
      %dma_wait3A_116 = arith.constant 0 : i32
      %dma_wait3A_117 = tpu.memref_slice %arg2[%dma_wait3A_115, %dma_wait3A_116] : memref<20000x128xf32, #tpu.memory_space<hbm>> -> memref<128x128xf32, #tpu.memory_space<hbm>>
      tpu.wait_dma2 semaphore(%arg14 : memref<!tpu.dma_semaphore, #tpu.memory_space<semaphore_mem>>) src(%dma_wait3A_117 : memref<128x128xf32, #tpu.memory_space<hbm>>) dst(%arg12 : memref<128x128xf32, #tpu.memory_space<vmem>>)
      %dma_start3A_118 = arith.constant 3 : i32
      %dma_start3A_119 = arith.constant 0 : i32
      %dma_start3A_120 = tpu.memref_slice %arg9[%dma_start3A_118, %dma_start3A_119] : memref<4x128xi32, #tpu.memory_space<vmem>> -> memref<1x128xi32, #tpu.memory_space<vmem>>
      %dma_start3A_121 = tpu.memref_squeeze %dma_start3A_120 : memref<1x128xi32, #tpu.memory_space<vmem>> -> memref<128xi32, #tpu.memory_space<vmem>>
      %dma_start3A_122 = arith.constant 0 : i32
      %dma_start3A_123 = arith.constant 0 : i32
      %dma_start3A_124 = tpu.memref_slice %arg8[%dma_start3A_122, %dma_start3A_123] : memref<10112x128xf32, #tpu.memory_space<vmem_shared>> -> memref<10112x128xf32, #tpu.memory_space<vmem_shared>>
      tpu.enqueue_indirect_dma source(%arg12 : memref<128x128xf32, #tpu.memory_space<vmem>>) target(%dma_start3A_124 : memref<10112x128xf32, #tpu.memory_space<vmem_shared>>) offsets(%dma_start3A_121 : memref<128xi32, #tpu.memory_space<vmem>>) semaphore(%arg16 : memref<!tpu.dma_semaphore, #tpu.memory_space<semaphore_mem>>) {add = true}
      %dma_wait3A_125 = arith.constant 3 : i32
      %dma_wait3A_126 = arith.constant 0 : i32
      %dma_wait3A_127 = tpu.memref_slice %arg9[%dma_wait3A_125, %dma_wait3A_126] : memref<4x128xi32, #tpu.memory_space<vmem>> -> memref<1x128xi32, #tpu.memory_space<vmem>>
      %dma_wait3A_128 = tpu.memref_squeeze %dma_wait3A_127 : memref<1x128xi32, #tpu.memory_space<vmem>> -> memref<128xi32, #tpu.memory_space<vmem>>
      %dma_wait3A_129 = arith.constant 0 : i32
      %dma_wait3A_130 = arith.constant 0 : i32
      %dma_wait3A_131 = tpu.memref_slice %arg8[%dma_wait3A_129, %dma_wait3A_130] : memref<10112x128xf32, #tpu.memory_space<vmem_shared>> -> memref<10112x128xf32, #tpu.memory_space<vmem_shared>>
      tpu.wait_indirect_dma semaphore(%arg16 : memref<!tpu.dma_semaphore, #tpu.memory_space<semaphore_mem>>) src(%arg12 : memref<128x128xf32, #tpu.memory_space<vmem>>) dst(%dma_wait3A_131 : memref<10112x128xf32, #tpu.memory_space<vmem_shared>>)
      %add3A_132 = arith.constant 1 : i32
      %add3A_133 = arith.addi %add3A_80, %add3A_132 : i32
      %dma_start3A_134 = arith.constant 1 : i32
      %dma_start3A_135 = arith.constant 0 : i32
      %dma_start3A_136 = tpu.memref_slice %arg10[%dma_start3A_134, %dma_start3A_135] : memref<4x128xi32, #tpu.memory_space<vmem>> -> memref<1x128xi32, #tpu.memory_space<vmem>>
      %dma_start3A_137 = tpu.memref_squeeze %dma_start3A_136 : memref<1x128xi32, #tpu.memory_space<vmem>> -> memref<128xi32, #tpu.memory_space<vmem>>
      %dma_start3A_138 = arith.constant 0 : i32
      %dma_start3A_139 = arith.constant 0 : i32
      %dma_start3A_140 = tpu.memref_slice %arg2[%dma_start3A_138, %dma_start3A_139] : memref<20000x128xf32, #tpu.memory_space<hbm>> -> memref<20000x128xf32, #tpu.memory_space<hbm>>
      tpu.enqueue_indirect_dma source(%dma_start3A_140 : memref<20000x128xf32, #tpu.memory_space<hbm>>) target(%arg12 : memref<128x128xf32, #tpu.memory_space<vmem>>) offsets(%dma_start3A_137 : memref<128xi32, #tpu.memory_space<vmem>>) semaphore(%arg14 : memref<!tpu.dma_semaphore, #tpu.memory_space<semaphore_mem>>)
      %add3A_141 = arith.constant 1 : i32
      %add3A_142 = arith.addi %add3A_80, %add3A_141 : i32
      %add3A_143 = arith.constant 1 : i32
      %add3A_144 = arith.addi %add3A_142, %add3A_143 : i32
      "tpu.region"() ({
        %run_scoped3A_203 = tpu.sem_alloc : memref<!tpu.dma_semaphore, #tpu.memory_space<semaphore_mem>>
        %dma_start3A_204 = arith.constant 0 : i32
        %dma_start3A_205 = arith.constant 0 : i32
        %dma_start3A_206 = tpu.memref_slice %arg4[%arg0, %add3A_144, %dma_start3A_204, %dma_start3A_205] : memref<2x1282x4x128xi32, #tpu.memory_space<hbm>> -> memref<1x1x4x128xi32, #tpu.memory_space<hbm>>
        %dma_start3A_207 = tpu.memref_squeeze %dma_start3A_206 : memref<1x1x4x128xi32, #tpu.memory_space<hbm>> -> memref<4x128xi32, #tpu.memory_space<hbm>>
        %dma_start3A_208 = arith.constant 0 : i32
        %dma_start3A_209 = arith.constant 0 : i32
        %dma_start3A_210 = tpu.memref_slice %arg4[%arg0, %add3A_144, %dma_start3A_208, %dma_start3A_209] : memref<2x1282x4x128xi32, #tpu.memory_space<hbm>> -> memref<1x1x4x128xi32, #tpu.memory_space<hbm>>
        %dma_start3A_211 = tpu.memref_squeeze %dma_start3A_210 : memref<1x1x4x128xi32, #tpu.memory_space<hbm>> -> memref<4x128xi32, #tpu.memory_space<hbm>>
        tpu.enqueue_dma source(%dma_start3A_211 : memref<4x128xi32, #tpu.memory_space<hbm>>) target(%arg9 : memref<4x128xi32, #tpu.memory_space<vmem>>) target_semaphore(%run_scoped3A_203 : memref<!tpu.dma_semaphore, #tpu.memory_space<semaphore_mem>>)
        %dma_wait3A_212 = arith.constant 0 : i32
        %dma_wait3A_213 = arith.constant 0 : i32
        %dma_wait3A_214 = tpu.memref_slice %arg4[%arg0, %add3A_144, %dma_wait3A_212, %dma_wait3A_213] : memref<2x1282x4x128xi32, #tpu.memory_space<hbm>> -> memref<1x1x4x128xi32, #tpu.memory_space<hbm>>
        %dma_wait3A_215 = tpu.memref_squeeze %dma_wait3A_214 : memref<1x1x4x128xi32, #tpu.memory_space<hbm>> -> memref<4x128xi32, #tpu.memory_space<hbm>>
        %dma_wait3A_216 = arith.constant 0 : i32
        %dma_wait3A_217 = arith.constant 0 : i32
        %dma_wait3A_218 = tpu.memref_slice %arg4[%arg0, %add3A_144, %dma_wait3A_216, %dma_wait3A_217] : memref<2x1282x4x128xi32, #tpu.memory_space<hbm>> -> memref<1x1x4x128xi32, #tpu.memory_space<hbm>>
        %dma_wait3A_219 = tpu.memref_squeeze %dma_wait3A_218 : memref<1x1x4x128xi32, #tpu.memory_space<hbm>> -> memref<4x128xi32, #tpu.memory_space<hbm>>
        tpu.wait_dma2 semaphore(%run_scoped3A_203 : memref<!tpu.dma_semaphore, #tpu.memory_space<semaphore_mem>>) src(%dma_wait3A_219 : memref<4x128xi32, #tpu.memory_space<hbm>>) dst(%arg9 : memref<4x128xi32, #tpu.memory_space<vmem>>)
        tpu.yield
      }) : () -> ()
      %dma_wait3A_145 = arith.constant 0 : i32
      %dma_wait3A_146 = arith.constant 0 : i32
      %dma_wait3A_147 = tpu.memref_slice %arg2[%dma_wait3A_145, %dma_wait3A_146] : memref<20000x128xf32, #tpu.memory_space<hbm>> -> memref<128x128xf32, #tpu.memory_space<hbm>>
      %dma_wait3A_148 = arith.constant 0 : i32
      %dma_wait3A_149 = arith.constant 0 : i32
      %dma_wait3A_150 = tpu.memref_slice %arg2[%dma_wait3A_148, %dma_wait3A_149] : memref<20000x128xf32, #tpu.memory_space<hbm>> -> memref<128x128xf32, #tpu.memory_space<hbm>>
      tpu.wait_dma2 semaphore(%arg13 : memref<!tpu.dma_semaphore, #tpu.memory_space<semaphore_mem>>) src(%dma_wait3A_150 : memref<128x128xf32, #tpu.memory_space<hbm>>) dst(%arg11 : memref<128x128xf32, #tpu.memory_space<vmem>>)
      %dma_start3A_151 = arith.constant 2 : i32
      %dma_start3A_152 = arith.constant 0 : i32
      %dma_start3A_153 = tpu.memref_slice %arg10[%dma_start3A_151, %dma_start3A_152] : memref<4x128xi32, #tpu.memory_space<vmem>> -> memref<1x128xi32, #tpu.memory_space<vmem>>
      %dma_start3A_154 = tpu.memref_squeeze %dma_start3A_153 : memref<1x128xi32, #tpu.memory_space<vmem>> -> memref<128xi32, #tpu.memory_space<vmem>>
      %dma_start3A_155 = arith.constant 0 : i32
      %dma_start3A_156 = arith.constant 0 : i32
      %dma_start3A_157 = tpu.memref_slice %arg8[%dma_start3A_155, %dma_start3A_156] : memref<10112x128xf32, #tpu.memory_space<vmem_shared>> -> memref<10112x128xf32, #tpu.memory_space<vmem_shared>>
      tpu.enqueue_indirect_dma source(%arg11 : memref<128x128xf32, #tpu.memory_space<vmem>>) target(%dma_start3A_157 : memref<10112x128xf32, #tpu.memory_space<vmem_shared>>) offsets(%dma_start3A_154 : memref<128xi32, #tpu.memory_space<vmem>>) semaphore(%arg15 : memref<!tpu.dma_semaphore, #tpu.memory_space<semaphore_mem>>) {add = true}
      %dma_wait3A_158 = arith.constant 2 : i32
      %dma_wait3A_159 = arith.constant 0 : i32
      %dma_wait3A_160 = tpu.memref_slice %arg10[%dma_wait3A_158, %dma_wait3A_159] : memref<4x128xi32, #tpu.memory_space<vmem>> -> memref<1x128xi32, #tpu.memory_space<vmem>>
      %dma_wait3A_161 = tpu.memref_squeeze %dma_wait3A_160 : memref<1x128xi32, #tpu.memory_space<vmem>> -> memref<128xi32, #tpu.memory_space<vmem>>
      %dma_wait3A_162 = arith.constant 0 : i32
      %dma_wait3A_163 = arith.constant 0 : i32
      %dma_wait3A_164 = tpu.memref_slice %arg8[%dma_wait3A_162, %dma_wait3A_163] : memref<10112x128xf32, #tpu.memory_space<vmem_shared>> -> memref<10112x128xf32, #tpu.memory_space<vmem_shared>>
      tpu.wait_indirect_dma semaphore(%arg15 : memref<!tpu.dma_semaphore, #tpu.memory_space<semaphore_mem>>) src(%arg11 : memref<128x128xf32, #tpu.memory_space<vmem>>) dst(%dma_wait3A_164 : memref<10112x128xf32, #tpu.memory_space<vmem_shared>>)
      %add3A_165 = arith.constant 1 : i32
      %add3A_166 = arith.addi %add3A_142, %add3A_165 : i32
      %dma_start3A_167 = arith.constant 0 : i32
      %dma_start3A_168 = arith.constant 0 : i32
      %dma_start3A_169 = tpu.memref_slice %arg9[%dma_start3A_167, %dma_start3A_168] : memref<4x128xi32, #tpu.memory_space<vmem>> -> memref<1x128xi32, #tpu.memory_space<vmem>>
      %dma_start3A_170 = tpu.memref_squeeze %dma_start3A_169 : memref<1x128xi32, #tpu.memory_space<vmem>> -> memref<128xi32, #tpu.memory_space<vmem>>
      %dma_start3A_171 = arith.constant 0 : i32
      %dma_start3A_172 = arith.constant 0 : i32
      %dma_start3A_173 = tpu.memref_slice %arg2[%dma_start3A_171, %dma_start3A_172] : memref<20000x128xf32, #tpu.memory_space<hbm>> -> memref<20000x128xf32, #tpu.memory_space<hbm>>
      tpu.enqueue_indirect_dma source(%dma_start3A_173 : memref<20000x128xf32, #tpu.memory_space<hbm>>) target(%arg11 : memref<128x128xf32, #tpu.memory_space<vmem>>) offsets(%dma_start3A_170 : memref<128xi32, #tpu.memory_space<vmem>>) semaphore(%arg13 : memref<!tpu.dma_semaphore, #tpu.memory_space<semaphore_mem>>)
      %dma_wait3A_174 = arith.constant 0 : i32
      %dma_wait3A_175 = arith.constant 0 : i32
      %dma_wait3A_176 = tpu.memref_slice %arg2[%dma_wait3A_174, %dma_wait3A_175] : memref<20000x128xf32, #tpu.memory_space<hbm>> -> memref<128x128xf32, #tpu.memory_space<hbm>>
      %dma_wait3A_177 = arith.constant 0 : i32
      %dma_wait3A_178 = arith.constant 0 : i32
      %dma_wait3A_179 = tpu.memref_slice %arg2[%dma_wait3A_177, %dma_wait3A_178] : memref<20000x128xf32, #tpu.memory_space<hbm>> -> memref<128x128xf32, #tpu.memory_space<hbm>>
      tpu.wait_dma2 semaphore(%arg14 : memref<!tpu.dma_semaphore, #tpu.memory_space<semaphore_mem>>) src(%dma_wait3A_179 : memref<128x128xf32, #tpu.memory_space<hbm>>) dst(%arg12 : memref<128x128xf32, #tpu.memory_space<vmem>>)
      %dma_start3A_180 = arith.constant 3 : i32
      %dma_start3A_181 = arith.constant 0 : i32
      %dma_start3A_182 = tpu.memref_slice %arg10[%dma_start3A_180, %dma_start3A_181] : memref<4x128xi32, #tpu.memory_space<vmem>> -> memref<1x128xi32, #tpu.memory_space<vmem>>
      %dma_start3A_183 = tpu.memref_squeeze %dma_start3A_182 : memref<1x128xi32, #tpu.memory_space<vmem>> -> memref<128xi32, #tpu.memory_space<vmem>>
      %dma_start3A_184 = arith.constant 0 : i32
      %dma_start3A_185 = arith.constant 0 : i32
      %dma_start3A_186 = tpu.memref_slice %arg8[%dma_start3A_184, %dma_start3A_185] : memref<10112x128xf32, #tpu.memory_space<vmem_shared>> -> memref<10112x128xf32, #tpu.memory_space<vmem_shared>>
      tpu.enqueue_indirect_dma source(%arg12 : memref<128x128xf32, #tpu.memory_space<vmem>>) target(%dma_start3A_186 : memref<10112x128xf32, #tpu.memory_space<vmem_shared>>) offsets(%dma_start3A_183 : memref<128xi32, #tpu.memory_space<vmem>>) semaphore(%arg16 : memref<!tpu.dma_semaphore, #tpu.memory_space<semaphore_mem>>) {add = true}
      %dma_wait3A_187 = arith.constant 3 : i32
      %dma_wait3A_188 = arith.constant 0 : i32
      %dma_wait3A_189 = tpu.memref_slice %arg10[%dma_wait3A_187, %dma_wait3A_188] : memref<4x128xi32, #tpu.memory_space<vmem>> -> memref<1x128xi32, #tpu.memory_space<vmem>>
      %dma_wait3A_190 = tpu.memref_squeeze %dma_wait3A_189 : memref<1x128xi32, #tpu.memory_space<vmem>> -> memref<128xi32, #tpu.memory_space<vmem>>
      %dma_wait3A_191 = arith.constant 0 : i32
      %dma_wait3A_192 = arith.constant 0 : i32
      %dma_wait3A_193 = tpu.memref_slice %arg8[%dma_wait3A_191, %dma_wait3A_192] : memref<10112x128xf32, #tpu.memory_space<vmem_shared>> -> memref<10112x128xf32, #tpu.memory_space<vmem_shared>>
      tpu.wait_indirect_dma semaphore(%arg16 : memref<!tpu.dma_semaphore, #tpu.memory_space<semaphore_mem>>) src(%arg12 : memref<128x128xf32, #tpu.memory_space<vmem>>) dst(%dma_wait3A_193 : memref<10112x128xf32, #tpu.memory_space<vmem_shared>>)
      %add3A_194 = arith.constant 1 : i32
      %add3A_195 = arith.addi %add3A_142, %add3A_194 : i32
      %dma_start3A_196 = arith.constant 1 : i32
      %dma_start3A_197 = arith.constant 0 : i32
      %dma_start3A_198 = tpu.memref_slice %arg9[%dma_start3A_196, %dma_start3A_197] : memref<4x128xi32, #tpu.memory_space<vmem>> -> memref<1x128xi32, #tpu.memory_space<vmem>>
      %dma_start3A_199 = tpu.memref_squeeze %dma_start3A_198 : memref<1x128xi32, #tpu.memory_space<vmem>> -> memref<128xi32, #tpu.memory_space<vmem>>
      %dma_start3A_200 = arith.constant 0 : i32
      %dma_start3A_201 = arith.constant 0 : i32
      %dma_start3A_202 = tpu.memref_slice %arg2[%dma_start3A_200, %dma_start3A_201] : memref<20000x128xf32, #tpu.memory_space<hbm>> -> memref<20000x128xf32, #tpu.memory_space<hbm>>
      tpu.enqueue_indirect_dma source(%dma_start3A_202 : memref<20000x128xf32, #tpu.memory_space<hbm>>) target(%arg12 : memref<128x128xf32, #tpu.memory_space<vmem>>) offsets(%dma_start3A_199 : memref<128xi32, #tpu.memory_space<vmem>>) semaphore(%arg14 : memref<!tpu.dma_semaphore, #tpu.memory_space<semaphore_mem>>)
    }
    %scan3A_20 = arith.constant 40 : i32
    %dma_wait3A = arith.constant 0 : i32
    %dma_wait3A_21 = arith.constant 0 : i32
    %dma_wait3A_22 = tpu.memref_slice %arg2[%dma_wait3A, %dma_wait3A_21] : memref<20000x128xf32, #tpu.memory_space<hbm>> -> memref<128x128xf32, #tpu.memory_space<hbm>>
    %dma_wait3A_23 = arith.constant 0 : i32
    %dma_wait3A_24 = arith.constant 0 : i32
    %dma_wait3A_25 = tpu.memref_slice %arg2[%dma_wait3A_23, %dma_wait3A_24] : memref<20000x128xf32, #tpu.memory_space<hbm>> -> memref<128x128xf32, #tpu.memory_space<hbm>>
    tpu.wait_dma2 semaphore(%arg13 : memref<!tpu.dma_semaphore, #tpu.memory_space<semaphore_mem>>) src(%dma_wait3A_25 : memref<128x128xf32, #tpu.memory_space<hbm>>) dst(%arg11 : memref<128x128xf32, #tpu.memory_space<vmem>>)
    %dma_wait3A_26 = arith.constant 0 : i32
    %dma_wait3A_27 = arith.constant 0 : i32
    %dma_wait3A_28 = tpu.memref_slice %arg2[%dma_wait3A_26, %dma_wait3A_27] : memref<20000x128xf32, #tpu.memory_space<hbm>> -> memref<128x128xf32, #tpu.memory_space<hbm>>
    %dma_wait3A_29 = arith.constant 0 : i32
    %dma_wait3A_30 = arith.constant 0 : i32
    %dma_wait3A_31 = tpu.memref_slice %arg2[%dma_wait3A_29, %dma_wait3A_30] : memref<20000x128xf32, #tpu.memory_space<hbm>> -> memref<128x128xf32, #tpu.memory_space<hbm>>
    tpu.wait_dma2 semaphore(%arg14 : memref<!tpu.dma_semaphore, #tpu.memory_space<semaphore_mem>>) src(%dma_wait3A_31 : memref<128x128xf32, #tpu.memory_space<hbm>>) dst(%arg12 : memref<128x128xf32, #tpu.memory_space<vmem>>)
    %barrier3A_32 = arith.constant 0 : index
    tpu.barrier barrier_id(%barrier3A_32)
    "tpu.region"() ({
      %run_scoped3A_77 = tpu.sem_alloc : memref<!tpu.dma_semaphore, #tpu.memory_space<semaphore_mem>>
      %dma_start3A_78 = arith.constant 0 : i32
      %dma_start3A_79 = tpu.memref_slice %arg6[%arg0, %mul3A_0, %dma_start3A_78] : memref<2x10112x128xf32, #tpu.memory_space<hbm>> -> memref<1x632x128xf32, #tpu.memory_space<hbm>>
      %dma_start3A_80 = tpu.memref_squeeze %dma_start3A_79 : memref<1x632x128xf32, #tpu.memory_space<hbm>> -> memref<632x128xf32, #tpu.memory_space<hbm>>
      %dma_start3A_81 = arith.constant 0 : i32
      %dma_start3A_82 = tpu.memref_slice %arg8[%mul3A_0, %dma_start3A_81] : memref<10112x128xf32, #tpu.memory_space<vmem_shared>> -> memref<632x128xf32, #tpu.memory_space<vmem_shared>>
      tpu.enqueue_dma source(%dma_start3A_82 : memref<632x128xf32, #tpu.memory_space<vmem_shared>>) target(%dma_start3A_80 : memref<632x128xf32, #tpu.memory_space<hbm>>) target_semaphore(%run_scoped3A_77 : memref<!tpu.dma_semaphore, #tpu.memory_space<semaphore_mem>>)
      %dma_wait3A_83 = arith.constant 0 : i32
      %dma_wait3A_84 = tpu.memref_slice %arg6[%arg0, %mul3A_0, %dma_wait3A_83] : memref<2x10112x128xf32, #tpu.memory_space<hbm>> -> memref<1x632x128xf32, #tpu.memory_space<hbm>>
      %dma_wait3A_85 = tpu.memref_squeeze %dma_wait3A_84 : memref<1x632x128xf32, #tpu.memory_space<hbm>> -> memref<632x128xf32, #tpu.memory_space<hbm>>
      %dma_wait3A_86 = arith.constant 0 : i32
      %dma_wait3A_87 = tpu.memref_slice %arg8[%mul3A_0, %dma_wait3A_86] : memref<10112x128xf32, #tpu.memory_space<vmem_shared>> -> memref<632x128xf32, #tpu.memory_space<vmem_shared>>
      tpu.wait_dma2 semaphore(%run_scoped3A_77 : memref<!tpu.dma_semaphore, #tpu.memory_space<semaphore_mem>>) src(%dma_wait3A_87 : memref<632x128xf32, #tpu.memory_space<vmem_shared>>) dst(%dma_wait3A_85 : memref<632x128xf32, #tpu.memory_space<hbm>>)
      tpu.yield
    }) : () -> ()
    "tpu.region"() ({
      %run_scoped3A_77 = tpu.sem_alloc : memref<!tpu.dma_semaphore, #tpu.memory_space<semaphore_mem>>
      %dma_start3A_78 = arith.constant 0 : i32
      %dma_start3A_79 = tpu.memref_slice %arg8[%mul3A_0, %dma_start3A_78] : memref<10112x128xf32, #tpu.memory_space<vmem_shared>> -> memref<632x128xf32, #tpu.memory_space<vmem_shared>>
      %dma_start3A_80 = arith.constant 0 : i32
      %dma_start3A_81 = tpu.memref_slice %arg5[%mul3A_0, %dma_start3A_80] : memref<10112x128xf32, #tpu.memory_space<hbm>> -> memref<632x128xf32, #tpu.memory_space<hbm>>
      tpu.enqueue_dma source(%dma_start3A_81 : memref<632x128xf32, #tpu.memory_space<hbm>>) target(%dma_start3A_79 : memref<632x128xf32, #tpu.memory_space<vmem_shared>>) target_semaphore(%run_scoped3A_77 : memref<!tpu.dma_semaphore, #tpu.memory_space<semaphore_mem>>)
      %dma_wait3A_82 = arith.constant 0 : i32
      %dma_wait3A_83 = tpu.memref_slice %arg8[%mul3A_0, %dma_wait3A_82] : memref<10112x128xf32, #tpu.memory_space<vmem_shared>> -> memref<632x128xf32, #tpu.memory_space<vmem_shared>>
      %dma_wait3A_84 = arith.constant 0 : i32
      %dma_wait3A_85 = tpu.memref_slice %arg5[%mul3A_0, %dma_wait3A_84] : memref<10112x128xf32, #tpu.memory_space<hbm>> -> memref<632x128xf32, #tpu.memory_space<hbm>>
      tpu.wait_dma2 semaphore(%run_scoped3A_77 : memref<!tpu.dma_semaphore, #tpu.memory_space<semaphore_mem>>) src(%dma_wait3A_85 : memref<632x128xf32, #tpu.memory_space<hbm>>) dst(%dma_wait3A_83 : memref<632x128xf32, #tpu.memory_space<vmem_shared>>)
      tpu.yield
    }) : () -> ()
    %barrier3A_33 = arith.constant 0 : index
    tpu.barrier barrier_id(%barrier3A_33)
    %mul3A_34 = arith.constant 2 : i32
    %mul3A_35 = arith.muli %arg1, %mul3A_34 : i32
    %mul3A_36 = arith.constant 40 : i32
    %mul3A_37 = arith.muli %mul3A_35, %mul3A_36 : i32
    %add3A = arith.addi %mul3A_37, %arg0 : i32
    %run_scoped3A = arith.constant 0 : i32
    "tpu.region"() ({
      %run_scoped3A_77 = tpu.sem_alloc : memref<!tpu.dma_semaphore, #tpu.memory_space<semaphore_mem>>
      %dma_start3A_78 = arith.constant 0 : i32
      %dma_start3A_79 = arith.constant 0 : i32
      %dma_start3A_80 = tpu.memref_slice %arg4[%run_scoped3A, %add3A, %dma_start3A_78, %dma_start3A_79] : memref<2x1282x4x128xi32, #tpu.memory_space<hbm>> -> memref<1x1x4x128xi32, #tpu.memory_space<hbm>>
      %dma_start3A_81 = tpu.memref_squeeze %dma_start3A_80 : memref<1x1x4x128xi32, #tpu.memory_space<hbm>> -> memref<4x128xi32, #tpu.memory_space<hbm>>
      %dma_start3A_82 = arith.constant 0 : i32
      %dma_start3A_83 = arith.constant 0 : i32
      %dma_start3A_84 = tpu.memref_slice %arg4[%run_scoped3A, %add3A, %dma_start3A_82, %dma_start3A_83] : memref<2x1282x4x128xi32, #tpu.memory_space<hbm>> -> memref<1x1x4x128xi32, #tpu.memory_space<hbm>>
      %dma_start3A_85 = tpu.memref_squeeze %dma_start3A_84 : memref<1x1x4x128xi32, #tpu.memory_space<hbm>> -> memref<4x128xi32, #tpu.memory_space<hbm>>
      tpu.enqueue_dma source(%dma_start3A_85 : memref<4x128xi32, #tpu.memory_space<hbm>>) target(%arg9 : memref<4x128xi32, #tpu.memory_space<vmem>>) target_semaphore(%run_scoped3A_77 : memref<!tpu.dma_semaphore, #tpu.memory_space<semaphore_mem>>)
      %dma_wait3A_86 = arith.constant 0 : i32
      %dma_wait3A_87 = arith.constant 0 : i32
      %dma_wait3A_88 = tpu.memref_slice %arg4[%run_scoped3A, %add3A, %dma_wait3A_86, %dma_wait3A_87] : memref<2x1282x4x128xi32, #tpu.memory_space<hbm>> -> memref<1x1x4x128xi32, #tpu.memory_space<hbm>>
      %dma_wait3A_89 = tpu.memref_squeeze %dma_wait3A_88 : memref<1x1x4x128xi32, #tpu.memory_space<hbm>> -> memref<4x128xi32, #tpu.memory_space<hbm>>
      %dma_wait3A_90 = arith.constant 0 : i32
      %dma_wait3A_91 = arith.constant 0 : i32
      %dma_wait3A_92 = tpu.memref_slice %arg4[%run_scoped3A, %add3A, %dma_wait3A_90, %dma_wait3A_91] : memref<2x1282x4x128xi32, #tpu.memory_space<hbm>> -> memref<1x1x4x128xi32, #tpu.memory_space<hbm>>
      %dma_wait3A_93 = tpu.memref_squeeze %dma_wait3A_92 : memref<1x1x4x128xi32, #tpu.memory_space<hbm>> -> memref<4x128xi32, #tpu.memory_space<hbm>>
      tpu.wait_dma2 semaphore(%run_scoped3A_77 : memref<!tpu.dma_semaphore, #tpu.memory_space<semaphore_mem>>) src(%dma_wait3A_93 : memref<4x128xi32, #tpu.memory_space<hbm>>) dst(%arg9 : memref<4x128xi32, #tpu.memory_space<vmem>>)
      tpu.yield
    }) : () -> ()
    %mul3A_38 = arith.constant 2 : i32
    %mul3A_39 = arith.muli %add3A, %mul3A_38 : i32
    %add3A_40 = arith.constant 0 : i32
    %add3A_41 = arith.addi %mul3A_39, %add3A_40 : i32
    %mul3A_42 = arith.constant 128 : i32
    %mul3A_43 = arith.muli %add3A_41, %mul3A_42 : i32
    %dma_start3A_44 = arith.constant 0 : i32
    %dma_start3A_45 = tpu.memref_slice %arg3[%mul3A_43, %dma_start3A_44] : memref<327936x128xf32, #tpu.memory_space<hbm>> -> memref<128x128xf32, #tpu.memory_space<hbm>>
    %dma_start3A_46 = arith.constant 0 : i32
    %dma_start3A_47 = tpu.memref_slice %arg3[%mul3A_43, %dma_start3A_46] : memref<327936x128xf32, #tpu.memory_space<hbm>> -> memref<128x128xf32, #tpu.memory_space<hbm>>
    tpu.enqueue_dma source(%dma_start3A_47 : memref<128x128xf32, #tpu.memory_space<hbm>>) target(%arg11 : memref<128x128xf32, #tpu.memory_space<vmem>>) target_semaphore(%arg13 : memref<!tpu.dma_semaphore, #tpu.memory_space<semaphore_mem>>)
    %mul3A_48 = arith.constant 2 : i32
    %mul3A_49 = arith.muli %add3A, %mul3A_48 : i32
    %add3A_50 = arith.constant 1 : i32
    %add3A_51 = arith.addi %mul3A_49, %add3A_50 : i32
    %mul3A_52 = arith.constant 128 : i32
    %mul3A_53 = arith.muli %add3A_51, %mul3A_52 : i32
    %dma_start3A_54 = arith.constant 0 : i32
    %dma_start3A_55 = tpu.memref_slice %arg3[%mul3A_53, %dma_start3A_54] : memref<327936x128xf32, #tpu.memory_space<hbm>> -> memref<128x128xf32, #tpu.memory_space<hbm>>
    %dma_start3A_56 = arith.constant 0 : i32
    %dma_start3A_57 = tpu.memref_slice %arg3[%mul3A_53, %dma_start3A_56] : memref<327936x128xf32, #tpu.memory_space<hbm>> -> memref<128x128xf32, #tpu.memory_space<hbm>>
    tpu.enqueue_dma source(%dma_start3A_57 : memref<128x128xf32, #tpu.memory_space<hbm>>) target(%arg12 : memref<128x128xf32, #tpu.memory_space<vmem>>) target_semaphore(%arg14 : memref<!tpu.dma_semaphore, #tpu.memory_space<semaphore_mem>>)
    %scan3A_58 = arith.constant 0 : i32
    %scan3A_59 = arith.constant 0 : i32
    %scan3A_60 = arith.constant 20 : i32
    %scan3A_61 = arith.addi %scan3A_59, %scan3A_60 : i32
    %scan3A_62 = arith.constant 1 : i32
    scf.for %scan3A_77 = %scan3A_59 to %scan3A_61 step %scan3A_62  : i32 {
      %mul3A_78 = arith.constant 4 : i32
      %mul3A_79 = arith.muli %mul3A_78, %scan3A_77 : i32
      %add3A_80 = arith.addi %add3A, %mul3A_79 : i32
      %add3A_81 = arith.constant 2 : i32
      %add3A_82 = arith.addi %add3A_80, %add3A_81 : i32
      %run_scoped3A_83 = arith.constant 0 : i32
      "tpu.region"() ({
        %run_scoped3A_217 = tpu.sem_alloc : memref<!tpu.dma_semaphore, #tpu.memory_space<semaphore_mem>>
        %dma_start3A_218 = arith.constant 0 : i32
        %dma_start3A_219 = arith.constant 0 : i32
        %dma_start3A_220 = tpu.memref_slice %arg4[%run_scoped3A_83, %add3A_82, %dma_start3A_218, %dma_start3A_219] : memref<2x1282x4x128xi32, #tpu.memory_space<hbm>> -> memref<1x1x4x128xi32, #tpu.memory_space<hbm>>
        %dma_start3A_221 = tpu.memref_squeeze %dma_start3A_220 : memref<1x1x4x128xi32, #tpu.memory_space<hbm>> -> memref<4x128xi32, #tpu.memory_space<hbm>>
        %dma_start3A_222 = arith.constant 0 : i32
        %dma_start3A_223 = arith.constant 0 : i32
        %dma_start3A_224 = tpu.memref_slice %arg4[%run_scoped3A_83, %add3A_82, %dma_start3A_222, %dma_start3A_223] : memref<2x1282x4x128xi32, #tpu.memory_space<hbm>> -> memref<1x1x4x128xi32, #tpu.memory_space<hbm>>
        %dma_start3A_225 = tpu.memref_squeeze %dma_start3A_224 : memref<1x1x4x128xi32, #tpu.memory_space<hbm>> -> memref<4x128xi32, #tpu.memory_space<hbm>>
        tpu.enqueue_dma source(%dma_start3A_225 : memref<4x128xi32, #tpu.memory_space<hbm>>) target(%arg10 : memref<4x128xi32, #tpu.memory_space<vmem>>) target_semaphore(%run_scoped3A_217 : memref<!tpu.dma_semaphore, #tpu.memory_space<semaphore_mem>>)
        %dma_wait3A_226 = arith.constant 0 : i32
        %dma_wait3A_227 = arith.constant 0 : i32
        %dma_wait3A_228 = tpu.memref_slice %arg4[%run_scoped3A_83, %add3A_82, %dma_wait3A_226, %dma_wait3A_227] : memref<2x1282x4x128xi32, #tpu.memory_space<hbm>> -> memref<1x1x4x128xi32, #tpu.memory_space<hbm>>
        %dma_wait3A_229 = tpu.memref_squeeze %dma_wait3A_228 : memref<1x1x4x128xi32, #tpu.memory_space<hbm>> -> memref<4x128xi32, #tpu.memory_space<hbm>>
        %dma_wait3A_230 = arith.constant 0 : i32
        %dma_wait3A_231 = arith.constant 0 : i32
        %dma_wait3A_232 = tpu.memref_slice %arg4[%run_scoped3A_83, %add3A_82, %dma_wait3A_230, %dma_wait3A_231] : memref<2x1282x4x128xi32, #tpu.memory_space<hbm>> -> memref<1x1x4x128xi32, #tpu.memory_space<hbm>>
        %dma_wait3A_233 = tpu.memref_squeeze %dma_wait3A_232 : memref<1x1x4x128xi32, #tpu.memory_space<hbm>> -> memref<4x128xi32, #tpu.memory_space<hbm>>
        tpu.wait_dma2 semaphore(%run_scoped3A_217 : memref<!tpu.dma_semaphore, #tpu.memory_space<semaphore_mem>>) src(%dma_wait3A_233 : memref<4x128xi32, #tpu.memory_space<hbm>>) dst(%arg10 : memref<4x128xi32, #tpu.memory_space<vmem>>)
        tpu.yield
      }) : () -> ()
      %dma_wait3A_84 = arith.constant 0 : i32
      %dma_wait3A_85 = arith.constant 0 : i32
      %dma_wait3A_86 = tpu.memref_slice %arg3[%dma_wait3A_84, %dma_wait3A_85] : memref<327936x128xf32, #tpu.memory_space<hbm>> -> memref<128x128xf32, #tpu.memory_space<hbm>>
      %dma_wait3A_87 = arith.constant 0 : i32
      %dma_wait3A_88 = arith.constant 0 : i32
      %dma_wait3A_89 = tpu.memref_slice %arg3[%dma_wait3A_87, %dma_wait3A_88] : memref<327936x128xf32, #tpu.memory_space<hbm>> -> memref<128x128xf32, #tpu.memory_space<hbm>>
      tpu.wait_dma2 semaphore(%arg13 : memref<!tpu.dma_semaphore, #tpu.memory_space<semaphore_mem>>) src(%dma_wait3A_89 : memref<128x128xf32, #tpu.memory_space<hbm>>) dst(%arg11 : memref<128x128xf32, #tpu.memory_space<vmem>>)
      %dma_start3A_90 = arith.constant 2 : i32
      %dma_start3A_91 = arith.constant 0 : i32
      %dma_start3A_92 = tpu.memref_slice %arg9[%dma_start3A_90, %dma_start3A_91] : memref<4x128xi32, #tpu.memory_space<vmem>> -> memref<1x128xi32, #tpu.memory_space<vmem>>
      %dma_start3A_93 = tpu.memref_squeeze %dma_start3A_92 : memref<1x128xi32, #tpu.memory_space<vmem>> -> memref<128xi32, #tpu.memory_space<vmem>>
      %dma_start3A_94 = arith.constant 0 : i32
      %dma_start3A_95 = arith.constant 0 : i32
      %dma_start3A_96 = tpu.memref_slice %arg8[%dma_start3A_94, %dma_start3A_95] : memref<10112x128xf32, #tpu.memory_space<vmem_shared>> -> memref<10112x128xf32, #tpu.memory_space<vmem_shared>>
      tpu.enqueue_indirect_dma source(%arg11 : memref<128x128xf32, #tpu.memory_space<vmem>>) target(%dma_start3A_96 : memref<10112x128xf32, #tpu.memory_space<vmem_shared>>) offsets(%dma_start3A_93 : memref<128xi32, #tpu.memory_space<vmem>>) semaphore(%arg15 : memref<!tpu.dma_semaphore, #tpu.memory_space<semaphore_mem>>) {add = true}
      %dma_wait3A_97 = arith.constant 2 : i32
      %dma_wait3A_98 = arith.constant 0 : i32
      %dma_wait3A_99 = tpu.memref_slice %arg9[%dma_wait3A_97, %dma_wait3A_98] : memref<4x128xi32, #tpu.memory_space<vmem>> -> memref<1x128xi32, #tpu.memory_space<vmem>>
      %dma_wait3A_100 = tpu.memref_squeeze %dma_wait3A_99 : memref<1x128xi32, #tpu.memory_space<vmem>> -> memref<128xi32, #tpu.memory_space<vmem>>
      %dma_wait3A_101 = arith.constant 0 : i32
      %dma_wait3A_102 = arith.constant 0 : i32
      %dma_wait3A_103 = tpu.memref_slice %arg8[%dma_wait3A_101, %dma_wait3A_102] : memref<10112x128xf32, #tpu.memory_space<vmem_shared>> -> memref<10112x128xf32, #tpu.memory_space<vmem_shared>>
      tpu.wait_indirect_dma semaphore(%arg15 : memref<!tpu.dma_semaphore, #tpu.memory_space<semaphore_mem>>) src(%arg11 : memref<128x128xf32, #tpu.memory_space<vmem>>) dst(%dma_wait3A_103 : memref<10112x128xf32, #tpu.memory_space<vmem_shared>>)
      %add3A_104 = arith.constant 2 : i32
      %add3A_105 = arith.addi %add3A_80, %add3A_104 : i32
      %mul3A_106 = arith.constant 2 : i32
      %mul3A_107 = arith.muli %add3A_105, %mul3A_106 : i32
      %add3A_108 = arith.constant 0 : i32
      %add3A_109 = arith.addi %mul3A_107, %add3A_108 : i32
      %mul3A_110 = arith.constant 128 : i32
      %mul3A_111 = arith.muli %add3A_109, %mul3A_110 : i32
      %dma_start3A_112 = arith.constant 0 : i32
      %dma_start3A_113 = tpu.memref_slice %arg3[%mul3A_111, %dma_start3A_112] : memref<327936x128xf32, #tpu.memory_space<hbm>> -> memref<128x128xf32, #tpu.memory_space<hbm>>
      %dma_start3A_114 = arith.constant 0 : i32
      %dma_start3A_115 = tpu.memref_slice %arg3[%mul3A_111, %dma_start3A_114] : memref<327936x128xf32, #tpu.memory_space<hbm>> -> memref<128x128xf32, #tpu.memory_space<hbm>>
      tpu.enqueue_dma source(%dma_start3A_115 : memref<128x128xf32, #tpu.memory_space<hbm>>) target(%arg11 : memref<128x128xf32, #tpu.memory_space<vmem>>) target_semaphore(%arg13 : memref<!tpu.dma_semaphore, #tpu.memory_space<semaphore_mem>>)
      %dma_wait3A_116 = arith.constant 0 : i32
      %dma_wait3A_117 = arith.constant 0 : i32
      %dma_wait3A_118 = tpu.memref_slice %arg3[%dma_wait3A_116, %dma_wait3A_117] : memref<327936x128xf32, #tpu.memory_space<hbm>> -> memref<128x128xf32, #tpu.memory_space<hbm>>
      %dma_wait3A_119 = arith.constant 0 : i32
      %dma_wait3A_120 = arith.constant 0 : i32
      %dma_wait3A_121 = tpu.memref_slice %arg3[%dma_wait3A_119, %dma_wait3A_120] : memref<327936x128xf32, #tpu.memory_space<hbm>> -> memref<128x128xf32, #tpu.memory_space<hbm>>
      tpu.wait_dma2 semaphore(%arg14 : memref<!tpu.dma_semaphore, #tpu.memory_space<semaphore_mem>>) src(%dma_wait3A_121 : memref<128x128xf32, #tpu.memory_space<hbm>>) dst(%arg12 : memref<128x128xf32, #tpu.memory_space<vmem>>)
      %dma_start3A_122 = arith.constant 3 : i32
      %dma_start3A_123 = arith.constant 0 : i32
      %dma_start3A_124 = tpu.memref_slice %arg9[%dma_start3A_122, %dma_start3A_123] : memref<4x128xi32, #tpu.memory_space<vmem>> -> memref<1x128xi32, #tpu.memory_space<vmem>>
      %dma_start3A_125 = tpu.memref_squeeze %dma_start3A_124 : memref<1x128xi32, #tpu.memory_space<vmem>> -> memref<128xi32, #tpu.memory_space<vmem>>
      %dma_start3A_126 = arith.constant 0 : i32
      %dma_start3A_127 = arith.constant 0 : i32
      %dma_start3A_128 = tpu.memref_slice %arg8[%dma_start3A_126, %dma_start3A_127] : memref<10112x128xf32, #tpu.memory_space<vmem_shared>> -> memref<10112x128xf32, #tpu.memory_space<vmem_shared>>
      tpu.enqueue_indirect_dma source(%arg12 : memref<128x128xf32, #tpu.memory_space<vmem>>) target(%dma_start3A_128 : memref<10112x128xf32, #tpu.memory_space<vmem_shared>>) offsets(%dma_start3A_125 : memref<128xi32, #tpu.memory_space<vmem>>) semaphore(%arg16 : memref<!tpu.dma_semaphore, #tpu.memory_space<semaphore_mem>>) {add = true}
      %dma_wait3A_129 = arith.constant 3 : i32
      %dma_wait3A_130 = arith.constant 0 : i32
      %dma_wait3A_131 = tpu.memref_slice %arg9[%dma_wait3A_129, %dma_wait3A_130] : memref<4x128xi32, #tpu.memory_space<vmem>> -> memref<1x128xi32, #tpu.memory_space<vmem>>
      %dma_wait3A_132 = tpu.memref_squeeze %dma_wait3A_131 : memref<1x128xi32, #tpu.memory_space<vmem>> -> memref<128xi32, #tpu.memory_space<vmem>>
      %dma_wait3A_133 = arith.constant 0 : i32
      %dma_wait3A_134 = arith.constant 0 : i32
      %dma_wait3A_135 = tpu.memref_slice %arg8[%dma_wait3A_133, %dma_wait3A_134] : memref<10112x128xf32, #tpu.memory_space<vmem_shared>> -> memref<10112x128xf32, #tpu.memory_space<vmem_shared>>
      tpu.wait_indirect_dma semaphore(%arg16 : memref<!tpu.dma_semaphore, #tpu.memory_space<semaphore_mem>>) src(%arg12 : memref<128x128xf32, #tpu.memory_space<vmem>>) dst(%dma_wait3A_135 : memref<10112x128xf32, #tpu.memory_space<vmem_shared>>)
      %add3A_136 = arith.constant 2 : i32
      %add3A_137 = arith.addi %add3A_80, %add3A_136 : i32
      %mul3A_138 = arith.constant 2 : i32
      %mul3A_139 = arith.muli %add3A_137, %mul3A_138 : i32
      %add3A_140 = arith.constant 1 : i32
      %add3A_141 = arith.addi %mul3A_139, %add3A_140 : i32
      %mul3A_142 = arith.constant 128 : i32
      %mul3A_143 = arith.muli %add3A_141, %mul3A_142 : i32
      %dma_start3A_144 = arith.constant 0 : i32
      %dma_start3A_145 = tpu.memref_slice %arg3[%mul3A_143, %dma_start3A_144] : memref<327936x128xf32, #tpu.memory_space<hbm>> -> memref<128x128xf32, #tpu.memory_space<hbm>>
      %dma_start3A_146 = arith.constant 0 : i32
      %dma_start3A_147 = tpu.memref_slice %arg3[%mul3A_143, %dma_start3A_146] : memref<327936x128xf32, #tpu.memory_space<hbm>> -> memref<128x128xf32, #tpu.memory_space<hbm>>
      tpu.enqueue_dma source(%dma_start3A_147 : memref<128x128xf32, #tpu.memory_space<hbm>>) target(%arg12 : memref<128x128xf32, #tpu.memory_space<vmem>>) target_semaphore(%arg14 : memref<!tpu.dma_semaphore, #tpu.memory_space<semaphore_mem>>)
      %add3A_148 = arith.constant 2 : i32
      %add3A_149 = arith.addi %add3A_80, %add3A_148 : i32
      %add3A_150 = arith.constant 2 : i32
      %add3A_151 = arith.addi %add3A_149, %add3A_150 : i32
      %run_scoped3A_152 = arith.constant 0 : i32
      "tpu.region"() ({
        %run_scoped3A_217 = tpu.sem_alloc : memref<!tpu.dma_semaphore, #tpu.memory_space<semaphore_mem>>
        %dma_start3A_218 = arith.constant 0 : i32
        %dma_start3A_219 = arith.constant 0 : i32
        %dma_start3A_220 = tpu.memref_slice %arg4[%run_scoped3A_152, %add3A_151, %dma_start3A_218, %dma_start3A_219] : memref<2x1282x4x128xi32, #tpu.memory_space<hbm>> -> memref<1x1x4x128xi32, #tpu.memory_space<hbm>>
        %dma_start3A_221 = tpu.memref_squeeze %dma_start3A_220 : memref<1x1x4x128xi32, #tpu.memory_space<hbm>> -> memref<4x128xi32, #tpu.memory_space<hbm>>
        %dma_start3A_222 = arith.constant 0 : i32
        %dma_start3A_223 = arith.constant 0 : i32
        %dma_start3A_224 = tpu.memref_slice %arg4[%run_scoped3A_152, %add3A_151, %dma_start3A_222, %dma_start3A_223] : memref<2x1282x4x128xi32, #tpu.memory_space<hbm>> -> memref<1x1x4x128xi32, #tpu.memory_space<hbm>>
        %dma_start3A_225 = tpu.memref_squeeze %dma_start3A_224 : memref<1x1x4x128xi32, #tpu.memory_space<hbm>> -> memref<4x128xi32, #tpu.memory_space<hbm>>
        tpu.enqueue_dma source(%dma_start3A_225 : memref<4x128xi32, #tpu.memory_space<hbm>>) target(%arg9 : memref<4x128xi32, #tpu.memory_space<vmem>>) target_semaphore(%run_scoped3A_217 : memref<!tpu.dma_semaphore, #tpu.memory_space<semaphore_mem>>)
        %dma_wait3A_226 = arith.constant 0 : i32
        %dma_wait3A_227 = arith.constant 0 : i32
        %dma_wait3A_228 = tpu.memref_slice %arg4[%run_scoped3A_152, %add3A_151, %dma_wait3A_226, %dma_wait3A_227] : memref<2x1282x4x128xi32, #tpu.memory_space<hbm>> -> memref<1x1x4x128xi32, #tpu.memory_space<hbm>>
        %dma_wait3A_229 = tpu.memref_squeeze %dma_wait3A_228 : memref<1x1x4x128xi32, #tpu.memory_space<hbm>> -> memref<4x128xi32, #tpu.memory_space<hbm>>
        %dma_wait3A_230 = arith.constant 0 : i32
        %dma_wait3A_231 = arith.constant 0 : i32
        %dma_wait3A_232 = tpu.memref_slice %arg4[%run_scoped3A_152, %add3A_151, %dma_wait3A_230, %dma_wait3A_231] : memref<2x1282x4x128xi32, #tpu.memory_space<hbm>> -> memref<1x1x4x128xi32, #tpu.memory_space<hbm>>
        %dma_wait3A_233 = tpu.memref_squeeze %dma_wait3A_232 : memref<1x1x4x128xi32, #tpu.memory_space<hbm>> -> memref<4x128xi32, #tpu.memory_space<hbm>>
        tpu.wait_dma2 semaphore(%run_scoped3A_217 : memref<!tpu.dma_semaphore, #tpu.memory_space<semaphore_mem>>) src(%dma_wait3A_233 : memref<4x128xi32, #tpu.memory_space<hbm>>) dst(%arg9 : memref<4x128xi32, #tpu.memory_space<vmem>>)
        tpu.yield
      }) : () -> ()
      %dma_wait3A_153 = arith.constant 0 : i32
      %dma_wait3A_154 = arith.constant 0 : i32
      %dma_wait3A_155 = tpu.memref_slice %arg3[%dma_wait3A_153, %dma_wait3A_154] : memref<327936x128xf32, #tpu.memory_space<hbm>> -> memref<128x128xf32, #tpu.memory_space<hbm>>
      %dma_wait3A_156 = arith.constant 0 : i32
      %dma_wait3A_157 = arith.constant 0 : i32
      %dma_wait3A_158 = tpu.memref_slice %arg3[%dma_wait3A_156, %dma_wait3A_157] : memref<327936x128xf32, #tpu.memory_space<hbm>> -> memref<128x128xf32, #tpu.memory_space<hbm>>
      tpu.wait_dma2 semaphore(%arg13 : memref<!tpu.dma_semaphore, #tpu.memory_space<semaphore_mem>>) src(%dma_wait3A_158 : memref<128x128xf32, #tpu.memory_space<hbm>>) dst(%arg11 : memref<128x128xf32, #tpu.memory_space<vmem>>)
      %dma_start3A_159 = arith.constant 2 : i32
      %dma_start3A_160 = arith.constant 0 : i32
      %dma_start3A_161 = tpu.memref_slice %arg10[%dma_start3A_159, %dma_start3A_160] : memref<4x128xi32, #tpu.memory_space<vmem>> -> memref<1x128xi32, #tpu.memory_space<vmem>>
      %dma_start3A_162 = tpu.memref_squeeze %dma_start3A_161 : memref<1x128xi32, #tpu.memory_space<vmem>> -> memref<128xi32, #tpu.memory_space<vmem>>
      %dma_start3A_163 = arith.constant 0 : i32
      %dma_start3A_164 = arith.constant 0 : i32
      %dma_start3A_165 = tpu.memref_slice %arg8[%dma_start3A_163, %dma_start3A_164] : memref<10112x128xf32, #tpu.memory_space<vmem_shared>> -> memref<10112x128xf32, #tpu.memory_space<vmem_shared>>
      tpu.enqueue_indirect_dma source(%arg11 : memref<128x128xf32, #tpu.memory_space<vmem>>) target(%dma_start3A_165 : memref<10112x128xf32, #tpu.memory_space<vmem_shared>>) offsets(%dma_start3A_162 : memref<128xi32, #tpu.memory_space<vmem>>) semaphore(%arg15 : memref<!tpu.dma_semaphore, #tpu.memory_space<semaphore_mem>>) {add = true}
      %dma_wait3A_166 = arith.constant 2 : i32
      %dma_wait3A_167 = arith.constant 0 : i32
      %dma_wait3A_168 = tpu.memref_slice %arg10[%dma_wait3A_166, %dma_wait3A_167] : memref<4x128xi32, #tpu.memory_space<vmem>> -> memref<1x128xi32, #tpu.memory_space<vmem>>
      %dma_wait3A_169 = tpu.memref_squeeze %dma_wait3A_168 : memref<1x128xi32, #tpu.memory_space<vmem>> -> memref<128xi32, #tpu.memory_space<vmem>>
      %dma_wait3A_170 = arith.constant 0 : i32
      %dma_wait3A_171 = arith.constant 0 : i32
      %dma_wait3A_172 = tpu.memref_slice %arg8[%dma_wait3A_170, %dma_wait3A_171] : memref<10112x128xf32, #tpu.memory_space<vmem_shared>> -> memref<10112x128xf32, #tpu.memory_space<vmem_shared>>
      tpu.wait_indirect_dma semaphore(%arg15 : memref<!tpu.dma_semaphore, #tpu.memory_space<semaphore_mem>>) src(%arg11 : memref<128x128xf32, #tpu.memory_space<vmem>>) dst(%dma_wait3A_172 : memref<10112x128xf32, #tpu.memory_space<vmem_shared>>)
      %add3A_173 = arith.constant 2 : i32
      %add3A_174 = arith.addi %add3A_149, %add3A_173 : i32
      %mul3A_175 = arith.constant 2 : i32
      %mul3A_176 = arith.muli %add3A_174, %mul3A_175 : i32
      %add3A_177 = arith.constant 0 : i32
      %add3A_178 = arith.addi %mul3A_176, %add3A_177 : i32
      %mul3A_179 = arith.constant 128 : i32
      %mul3A_180 = arith.muli %add3A_178, %mul3A_179 : i32
      %dma_start3A_181 = arith.constant 0 : i32
      %dma_start3A_182 = tpu.memref_slice %arg3[%mul3A_180, %dma_start3A_181] : memref<327936x128xf32, #tpu.memory_space<hbm>> -> memref<128x128xf32, #tpu.memory_space<hbm>>
      %dma_start3A_183 = arith.constant 0 : i32
      %dma_start3A_184 = tpu.memref_slice %arg3[%mul3A_180, %dma_start3A_183] : memref<327936x128xf32, #tpu.memory_space<hbm>> -> memref<128x128xf32, #tpu.memory_space<hbm>>
      tpu.enqueue_dma source(%dma_start3A_184 : memref<128x128xf32, #tpu.memory_space<hbm>>) target(%arg11 : memref<128x128xf32, #tpu.memory_space<vmem>>) target_semaphore(%arg13 : memref<!tpu.dma_semaphore, #tpu.memory_space<semaphore_mem>>)
      %dma_wait3A_185 = arith.constant 0 : i32
      %dma_wait3A_186 = arith.constant 0 : i32
      %dma_wait3A_187 = tpu.memref_slice %arg3[%dma_wait3A_185, %dma_wait3A_186] : memref<327936x128xf32, #tpu.memory_space<hbm>> -> memref<128x128xf32, #tpu.memory_space<hbm>>
      %dma_wait3A_188 = arith.constant 0 : i32
      %dma_wait3A_189 = arith.constant 0 : i32
      %dma_wait3A_190 = tpu.memref_slice %arg3[%dma_wait3A_188, %dma_wait3A_189] : memref<327936x128xf32, #tpu.memory_space<hbm>> -> memref<128x128xf32, #tpu.memory_space<hbm>>
      tpu.wait_dma2 semaphore(%arg14 : memref<!tpu.dma_semaphore, #tpu.memory_space<semaphore_mem>>) src(%dma_wait3A_190 : memref<128x128xf32, #tpu.memory_space<hbm>>) dst(%arg12 : memref<128x128xf32, #tpu.memory_space<vmem>>)
      %dma_start3A_191 = arith.constant 3 : i32
      %dma_start3A_192 = arith.constant 0 : i32
      %dma_start3A_193 = tpu.memref_slice %arg10[%dma_start3A_191, %dma_start3A_192] : memref<4x128xi32, #tpu.memory_space<vmem>> -> memref<1x128xi32, #tpu.memory_space<vmem>>
      %dma_start3A_194 = tpu.memref_squeeze %dma_start3A_193 : memref<1x128xi32, #tpu.memory_space<vmem>> -> memref<128xi32, #tpu.memory_space<vmem>>
      %dma_start3A_195 = arith.constant 0 : i32
      %dma_start3A_196 = arith.constant 0 : i32
      %dma_start3A_197 = tpu.memref_slice %arg8[%dma_start3A_195, %dma_start3A_196] : memref<10112x128xf32, #tpu.memory_space<vmem_shared>> -> memref<10112x128xf32, #tpu.memory_space<vmem_shared>>
      tpu.enqueue_indirect_dma source(%arg12 : memref<128x128xf32, #tpu.memory_space<vmem>>) target(%dma_start3A_197 : memref<10112x128xf32, #tpu.memory_space<vmem_shared>>) offsets(%dma_start3A_194 : memref<128xi32, #tpu.memory_space<vmem>>) semaphore(%arg16 : memref<!tpu.dma_semaphore, #tpu.memory_space<semaphore_mem>>) {add = true}
      %dma_wait3A_198 = arith.constant 3 : i32
      %dma_wait3A_199 = arith.constant 0 : i32
      %dma_wait3A_200 = tpu.memref_slice %arg10[%dma_wait3A_198, %dma_wait3A_199] : memref<4x128xi32, #tpu.memory_space<vmem>> -> memref<1x128xi32, #tpu.memory_space<vmem>>
      %dma_wait3A_201 = tpu.memref_squeeze %dma_wait3A_200 : memref<1x128xi32, #tpu.memory_space<vmem>> -> memref<128xi32, #tpu.memory_space<vmem>>
      %dma_wait3A_202 = arith.constant 0 : i32
      %dma_wait3A_203 = arith.constant 0 : i32
      %dma_wait3A_204 = tpu.memref_slice %arg8[%dma_wait3A_202, %dma_wait3A_203] : memref<10112x128xf32, #tpu.memory_space<vmem_shared>> -> memref<10112x128xf32, #tpu.memory_space<vmem_shared>>
      tpu.wait_indirect_dma semaphore(%arg16 : memref<!tpu.dma_semaphore, #tpu.memory_space<semaphore_mem>>) src(%arg12 : memref<128x128xf32, #tpu.memory_space<vmem>>) dst(%dma_wait3A_204 : memref<10112x128xf32, #tpu.memory_space<vmem_shared>>)
      %add3A_205 = arith.constant 2 : i32
      %add3A_206 = arith.addi %add3A_149, %add3A_205 : i32
      %mul3A_207 = arith.constant 2 : i32
      %mul3A_208 = arith.muli %add3A_206, %mul3A_207 : i32
      %add3A_209 = arith.constant 1 : i32
      %add3A_210 = arith.addi %mul3A_208, %add3A_209 : i32
      %mul3A_211 = arith.constant 128 : i32
      %mul3A_212 = arith.muli %add3A_210, %mul3A_211 : i32
      %dma_start3A_213 = arith.constant 0 : i32
      %dma_start3A_214 = tpu.memref_slice %arg3[%mul3A_212, %dma_start3A_213] : memref<327936x128xf32, #tpu.memory_space<hbm>> -> memref<128x128xf32, #tpu.memory_space<hbm>>
      %dma_start3A_215 = arith.constant 0 : i32
      %dma_start3A_216 = tpu.memref_slice %arg3[%mul3A_212, %dma_start3A_215] : memref<327936x128xf32, #tpu.memory_space<hbm>> -> memref<128x128xf32, #tpu.memory_space<hbm>>
      tpu.enqueue_dma source(%dma_start3A_216 : memref<128x128xf32, #tpu.memory_space<hbm>>) target(%arg12 : memref<128x128xf32, #tpu.memory_space<vmem>>) target_semaphore(%arg14 : memref<!tpu.dma_semaphore, #tpu.memory_space<semaphore_mem>>)
    }
    %scan3A_63 = arith.constant 20 : i32
    %dma_wait3A_64 = arith.constant 0 : i32
    %dma_wait3A_65 = arith.constant 0 : i32
    %dma_wait3A_66 = tpu.memref_slice %arg3[%dma_wait3A_64, %dma_wait3A_65] : memref<327936x128xf32, #tpu.memory_space<hbm>> -> memref<128x128xf32, #tpu.memory_space<hbm>>
    %dma_wait3A_67 = arith.constant 0 : i32
    %dma_wait3A_68 = arith.constant 0 : i32
    %dma_wait3A_69 = tpu.memref_slice %arg3[%dma_wait3A_67, %dma_wait3A_68] : memref<327936x128xf32, #tpu.memory_space<hbm>> -> memref<128x128xf32, #tpu.memory_space<hbm>>
    tpu.wait_dma2 semaphore(%arg13 : memref<!tpu.dma_semaphore, #tpu.memory_space<semaphore_mem>>) src(%dma_wait3A_69 : memref<128x128xf32, #tpu.memory_space<hbm>>) dst(%arg11 : memref<128x128xf32, #tpu.memory_space<vmem>>)
    %dma_wait3A_70 = arith.constant 0 : i32
    %dma_wait3A_71 = arith.constant 0 : i32
    %dma_wait3A_72 = tpu.memref_slice %arg3[%dma_wait3A_70, %dma_wait3A_71] : memref<327936x128xf32, #tpu.memory_space<hbm>> -> memref<128x128xf32, #tpu.memory_space<hbm>>
    %dma_wait3A_73 = arith.constant 0 : i32
    %dma_wait3A_74 = arith.constant 0 : i32
    %dma_wait3A_75 = tpu.memref_slice %arg3[%dma_wait3A_73, %dma_wait3A_74] : memref<327936x128xf32, #tpu.memory_space<hbm>> -> memref<128x128xf32, #tpu.memory_space<hbm>>
    tpu.wait_dma2 semaphore(%arg14 : memref<!tpu.dma_semaphore, #tpu.memory_space<semaphore_mem>>) src(%dma_wait3A_75 : memref<128x128xf32, #tpu.memory_space<hbm>>) dst(%arg12 : memref<128x128xf32, #tpu.memory_space<vmem>>)
    %barrier3A_76 = arith.constant 0 : index
    tpu.barrier barrier_id(%barrier3A_76)
    "tpu.region"() ({
      %run_scoped3A_77 = tpu.sem_alloc : memref<!tpu.dma_semaphore, #tpu.memory_space<semaphore_mem>>
      %dma_start3A_78 = arith.constant 0 : i32
      %dma_start3A_79 = tpu.memref_slice %arg7[%arg0, %mul3A_0, %dma_start3A_78] : memref<2x10112x128xf32, #tpu.memory_space<hbm>> -> memref<1x632x128xf32, #tpu.memory_space<hbm>>
      %dma_start3A_80 = tpu.memref_squeeze %dma_start3A_79 : memref<1x632x128xf32, #tpu.memory_space<hbm>> -> memref<632x128xf32, #tpu.memory_space<hbm>>
      %dma_start3A_81 = arith.constant 0 : i32
      %dma_start3A_82 = tpu.memref_slice %arg8[%mul3A_0, %dma_start3A_81] : memref<10112x128xf32, #tpu.memory_space<vmem_shared>> -> memref<632x128xf32, #tpu.memory_space<vmem_shared>>
      tpu.enqueue_dma source(%dma_start3A_82 : memref<632x128xf32, #tpu.memory_space<vmem_shared>>) target(%dma_start3A_80 : memref<632x128xf32, #tpu.memory_space<hbm>>) target_semaphore(%run_scoped3A_77 : memref<!tpu.dma_semaphore, #tpu.memory_space<semaphore_mem>>)
      %dma_wait3A_83 = arith.constant 0 : i32
      %dma_wait3A_84 = tpu.memref_slice %arg7[%arg0, %mul3A_0, %dma_wait3A_83] : memref<2x10112x128xf32, #tpu.memory_space<hbm>> -> memref<1x632x128xf32, #tpu.memory_space<hbm>>
      %dma_wait3A_85 = tpu.memref_squeeze %dma_wait3A_84 : memref<1x632x128xf32, #tpu.memory_space<hbm>> -> memref<632x128xf32, #tpu.memory_space<hbm>>
      %dma_wait3A_86 = arith.constant 0 : i32
      %dma_wait3A_87 = tpu.memref_slice %arg8[%mul3A_0, %dma_wait3A_86] : memref<10112x128xf32, #tpu.memory_space<vmem_shared>> -> memref<632x128xf32, #tpu.memory_space<vmem_shared>>
      tpu.wait_dma2 semaphore(%run_scoped3A_77 : memref<!tpu.dma_semaphore, #tpu.memory_space<semaphore_mem>>) src(%dma_wait3A_87 : memref<632x128xf32, #tpu.memory_space<vmem_shared>>) dst(%dma_wait3A_85 : memref<632x128xf32, #tpu.memory_space<hbm>>)
      tpu.yield
    }) : () -> ()
    return
  }
}

#map = affine_map<(d0, d1) -> (0, 0)>
#map1 = affine_map<(d0, d1) -> (0, 0, 0, 0)>
#map2 = affine_map<(d0, d1) -> (0, 0, 0)>
module attributes {stable_mosaic.version = 14 : i64} {
  func.func @_sc_pass2(%arg0: i32, %arg1: i32, %arg2: memref<10000x128xf32, #tpu.memory_space<hbm>>, %arg3: memref<2x1282x4x128xi32, #tpu.memory_space<hbm>>, %arg4: memref<10112x128xf32, #tpu.memory_space<hbm>>, %arg5: memref<2x10112x128xf32, #tpu.memory_space<hbm>>, %arg6: memref<10112x128xf32, #tpu.memory_space<vmem_shared>>, %arg7: memref<4x128xi32, #tpu.memory_space<vmem>>, %arg8: memref<4x128xi32, #tpu.memory_space<vmem>>, %arg9: memref<128x128xf32, #tpu.memory_space<vmem>>, %arg10: memref<128x128xf32, #tpu.memory_space<vmem>>, %arg11: memref<!tpu.dma_semaphore, #tpu.memory_space<semaphore_mem>>, %arg12: memref<!tpu.dma_semaphore, #tpu.memory_space<semaphore_mem>>, %arg13: memref<!tpu.dma_semaphore, #tpu.memory_space<semaphore_mem>>, %arg14: memref<!tpu.dma_semaphore, #tpu.memory_space<semaphore_mem>>) attributes {dimension_semantics = [#tpu.dimension_semantics<core_parallel>, #tpu.dimension_semantics<subcore_parallel>], iteration_bounds = array<i64: 2, 16>, scalar_prefetch = 0 : i64, scratch_operands = 9 : i64, tpu.core_type = #tpu.core_type<sc_vector_subcore>, window_params = [{transform_indices = #map}, {transform_indices = #map1}, {transform_indices = #map}, {transform_indices = #map2}]} {
    %mul3A = arith.constant 632 : i32
    %mul3A_0 = arith.muli %arg1, %mul3A : i32
    "tpu.region"() ({
      %run_scoped3A_35 = tpu.sem_alloc : memref<!tpu.dma_semaphore, #tpu.memory_space<semaphore_mem>>
      %dma_start3A_36 = arith.constant 0 : i32
      %dma_start3A_37 = tpu.memref_slice %arg6[%mul3A_0, %dma_start3A_36] : memref<10112x128xf32, #tpu.memory_space<vmem_shared>> -> memref<632x128xf32, #tpu.memory_space<vmem_shared>>
      %dma_start3A_38 = arith.constant 0 : i32
      %dma_start3A_39 = tpu.memref_slice %arg4[%mul3A_0, %dma_start3A_38] : memref<10112x128xf32, #tpu.memory_space<hbm>> -> memref<632x128xf32, #tpu.memory_space<hbm>>
      tpu.enqueue_dma source(%dma_start3A_39 : memref<632x128xf32, #tpu.memory_space<hbm>>) target(%dma_start3A_37 : memref<632x128xf32, #tpu.memory_space<vmem_shared>>) target_semaphore(%run_scoped3A_35 : memref<!tpu.dma_semaphore, #tpu.memory_space<semaphore_mem>>)
      %dma_wait3A_40 = arith.constant 0 : i32
      %dma_wait3A_41 = tpu.memref_slice %arg6[%mul3A_0, %dma_wait3A_40] : memref<10112x128xf32, #tpu.memory_space<vmem_shared>> -> memref<632x128xf32, #tpu.memory_space<vmem_shared>>
      %dma_wait3A_42 = arith.constant 0 : i32
      %dma_wait3A_43 = tpu.memref_slice %arg4[%mul3A_0, %dma_wait3A_42] : memref<10112x128xf32, #tpu.memory_space<hbm>> -> memref<632x128xf32, #tpu.memory_space<hbm>>
      tpu.wait_dma2 semaphore(%run_scoped3A_35 : memref<!tpu.dma_semaphore, #tpu.memory_space<semaphore_mem>>) src(%dma_wait3A_43 : memref<632x128xf32, #tpu.memory_space<hbm>>) dst(%dma_wait3A_41 : memref<632x128xf32, #tpu.memory_space<vmem_shared>>)
      tpu.yield
    }) : () -> ()
    %barrier3A = arith.constant 0 : index
    tpu.barrier barrier_id(%barrier3A)
    %mul3A_1 = arith.constant 2 : i32
    %mul3A_2 = arith.muli %arg1, %mul3A_1 : i32
    %mul3A_3 = arith.constant 40 : i32
    %mul3A_4 = arith.muli %mul3A_2, %mul3A_3 : i32
    %add3A = arith.addi %mul3A_4, %arg0 : i32
    %run_scoped3A = arith.constant 0 : i32
    "tpu.region"() ({
      %run_scoped3A_35 = tpu.sem_alloc : memref<!tpu.dma_semaphore, #tpu.memory_space<semaphore_mem>>
      %dma_start3A_36 = arith.constant 0 : i32
      %dma_start3A_37 = arith.constant 0 : i32
      %dma_start3A_38 = tpu.memref_slice %arg3[%run_scoped3A, %add3A, %dma_start3A_36, %dma_start3A_37] : memref<2x1282x4x128xi32, #tpu.memory_space<hbm>> -> memref<1x1x4x128xi32, #tpu.memory_space<hbm>>
      %dma_start3A_39 = tpu.memref_squeeze %dma_start3A_38 : memref<1x1x4x128xi32, #tpu.memory_space<hbm>> -> memref<4x128xi32, #tpu.memory_space<hbm>>
      %dma_start3A_40 = arith.constant 0 : i32
      %dma_start3A_41 = arith.constant 0 : i32
      %dma_start3A_42 = tpu.memref_slice %arg3[%run_scoped3A, %add3A, %dma_start3A_40, %dma_start3A_41] : memref<2x1282x4x128xi32, #tpu.memory_space<hbm>> -> memref<1x1x4x128xi32, #tpu.memory_space<hbm>>
      %dma_start3A_43 = tpu.memref_squeeze %dma_start3A_42 : memref<1x1x4x128xi32, #tpu.memory_space<hbm>> -> memref<4x128xi32, #tpu.memory_space<hbm>>
      tpu.enqueue_dma source(%dma_start3A_43 : memref<4x128xi32, #tpu.memory_space<hbm>>) target(%arg7 : memref<4x128xi32, #tpu.memory_space<vmem>>) target_semaphore(%run_scoped3A_35 : memref<!tpu.dma_semaphore, #tpu.memory_space<semaphore_mem>>)
      %dma_wait3A_44 = arith.constant 0 : i32
      %dma_wait3A_45 = arith.constant 0 : i32
      %dma_wait3A_46 = tpu.memref_slice %arg3[%run_scoped3A, %add3A, %dma_wait3A_44, %dma_wait3A_45] : memref<2x1282x4x128xi32, #tpu.memory_space<hbm>> -> memref<1x1x4x128xi32, #tpu.memory_space<hbm>>
      %dma_wait3A_47 = tpu.memref_squeeze %dma_wait3A_46 : memref<1x1x4x128xi32, #tpu.memory_space<hbm>> -> memref<4x128xi32, #tpu.memory_space<hbm>>
      %dma_wait3A_48 = arith.constant 0 : i32
      %dma_wait3A_49 = arith.constant 0 : i32
      %dma_wait3A_50 = tpu.memref_slice %arg3[%run_scoped3A, %add3A, %dma_wait3A_48, %dma_wait3A_49] : memref<2x1282x4x128xi32, #tpu.memory_space<hbm>> -> memref<1x1x4x128xi32, #tpu.memory_space<hbm>>
      %dma_wait3A_51 = tpu.memref_squeeze %dma_wait3A_50 : memref<1x1x4x128xi32, #tpu.memory_space<hbm>> -> memref<4x128xi32, #tpu.memory_space<hbm>>
      tpu.wait_dma2 semaphore(%run_scoped3A_35 : memref<!tpu.dma_semaphore, #tpu.memory_space<semaphore_mem>>) src(%dma_wait3A_51 : memref<4x128xi32, #tpu.memory_space<hbm>>) dst(%arg7 : memref<4x128xi32, #tpu.memory_space<vmem>>)
      tpu.yield
    }) : () -> ()
    %dma_start3A = arith.constant 0 : i32
    %dma_start3A_5 = arith.constant 0 : i32
    %dma_start3A_6 = tpu.memref_slice %arg7[%dma_start3A, %dma_start3A_5] : memref<4x128xi32, #tpu.memory_space<vmem>> -> memref<1x128xi32, #tpu.memory_space<vmem>>
    %dma_start3A_7 = tpu.memref_squeeze %dma_start3A_6 : memref<1x128xi32, #tpu.memory_space<vmem>> -> memref<128xi32, #tpu.memory_space<vmem>>
    %dma_start3A_8 = arith.constant 0 : i32
    %dma_start3A_9 = arith.constant 0 : i32
    %dma_start3A_10 = tpu.memref_slice %arg2[%dma_start3A_8, %dma_start3A_9] : memref<10000x128xf32, #tpu.memory_space<hbm>> -> memref<10000x128xf32, #tpu.memory_space<hbm>>
    tpu.enqueue_indirect_dma source(%dma_start3A_10 : memref<10000x128xf32, #tpu.memory_space<hbm>>) target(%arg9 : memref<128x128xf32, #tpu.memory_space<vmem>>) offsets(%dma_start3A_7 : memref<128xi32, #tpu.memory_space<vmem>>) semaphore(%arg11 : memref<!tpu.dma_semaphore, #tpu.memory_space<semaphore_mem>>)
    %dma_start3A_11 = arith.constant 1 : i32
    %dma_start3A_12 = arith.constant 0 : i32
    %dma_start3A_13 = tpu.memref_slice %arg7[%dma_start3A_11, %dma_start3A_12] : memref<4x128xi32, #tpu.memory_space<vmem>> -> memref<1x128xi32, #tpu.memory_space<vmem>>
    %dma_start3A_14 = tpu.memref_squeeze %dma_start3A_13 : memref<1x128xi32, #tpu.memory_space<vmem>> -> memref<128xi32, #tpu.memory_space<vmem>>
    %dma_start3A_15 = arith.constant 0 : i32
    %dma_start3A_16 = arith.constant 0 : i32
    %dma_start3A_17 = tpu.memref_slice %arg2[%dma_start3A_15, %dma_start3A_16] : memref<10000x128xf32, #tpu.memory_space<hbm>> -> memref<10000x128xf32, #tpu.memory_space<hbm>>
    tpu.enqueue_indirect_dma source(%dma_start3A_17 : memref<10000x128xf32, #tpu.memory_space<hbm>>) target(%arg10 : memref<128x128xf32, #tpu.memory_space<vmem>>) offsets(%dma_start3A_14 : memref<128xi32, #tpu.memory_space<vmem>>) semaphore(%arg12 : memref<!tpu.dma_semaphore, #tpu.memory_space<semaphore_mem>>)
    %scan3A = arith.constant 0 : i32
    %scan3A_18 = arith.constant 0 : i32
    %scan3A_19 = arith.constant 20 : i32
    %scan3A_20 = arith.addi %scan3A_18, %scan3A_19 : i32
    %scan3A_21 = arith.constant 1 : i32
    scf.for %scan3A_35 = %scan3A_18 to %scan3A_20 step %scan3A_21  : i32 {
      %mul3A_36 = arith.constant 4 : i32
      %mul3A_37 = arith.muli %mul3A_36, %scan3A_35 : i32
      %add3A_38 = arith.addi %add3A, %mul3A_37 : i32
      %add3A_39 = arith.constant 2 : i32
      %add3A_40 = arith.addi %add3A_38, %add3A_39 : i32
      %run_scoped3A_41 = arith.constant 0 : i32
      "tpu.region"() ({
        %run_scoped3A_163 = tpu.sem_alloc : memref<!tpu.dma_semaphore, #tpu.memory_space<semaphore_mem>>
        %dma_start3A_164 = arith.constant 0 : i32
        %dma_start3A_165 = arith.constant 0 : i32
        %dma_start3A_166 = tpu.memref_slice %arg3[%run_scoped3A_41, %add3A_40, %dma_start3A_164, %dma_start3A_165] : memref<2x1282x4x128xi32, #tpu.memory_space<hbm>> -> memref<1x1x4x128xi32, #tpu.memory_space<hbm>>
        %dma_start3A_167 = tpu.memref_squeeze %dma_start3A_166 : memref<1x1x4x128xi32, #tpu.memory_space<hbm>> -> memref<4x128xi32, #tpu.memory_space<hbm>>
        %dma_start3A_168 = arith.constant 0 : i32
        %dma_start3A_169 = arith.constant 0 : i32
        %dma_start3A_170 = tpu.memref_slice %arg3[%run_scoped3A_41, %add3A_40, %dma_start3A_168, %dma_start3A_169] : memref<2x1282x4x128xi32, #tpu.memory_space<hbm>> -> memref<1x1x4x128xi32, #tpu.memory_space<hbm>>
        %dma_start3A_171 = tpu.memref_squeeze %dma_start3A_170 : memref<1x1x4x128xi32, #tpu.memory_space<hbm>> -> memref<4x128xi32, #tpu.memory_space<hbm>>
        tpu.enqueue_dma source(%dma_start3A_171 : memref<4x128xi32, #tpu.memory_space<hbm>>) target(%arg8 : memref<4x128xi32, #tpu.memory_space<vmem>>) target_semaphore(%run_scoped3A_163 : memref<!tpu.dma_semaphore, #tpu.memory_space<semaphore_mem>>)
        %dma_wait3A_172 = arith.constant 0 : i32
        %dma_wait3A_173 = arith.constant 0 : i32
        %dma_wait3A_174 = tpu.memref_slice %arg3[%run_scoped3A_41, %add3A_40, %dma_wait3A_172, %dma_wait3A_173] : memref<2x1282x4x128xi32, #tpu.memory_space<hbm>> -> memref<1x1x4x128xi32, #tpu.memory_space<hbm>>
        %dma_wait3A_175 = tpu.memref_squeeze %dma_wait3A_174 : memref<1x1x4x128xi32, #tpu.memory_space<hbm>> -> memref<4x128xi32, #tpu.memory_space<hbm>>
        %dma_wait3A_176 = arith.constant 0 : i32
        %dma_wait3A_177 = arith.constant 0 : i32
        %dma_wait3A_178 = tpu.memref_slice %arg3[%run_scoped3A_41, %add3A_40, %dma_wait3A_176, %dma_wait3A_177] : memref<2x1282x4x128xi32, #tpu.memory_space<hbm>> -> memref<1x1x4x128xi32, #tpu.memory_space<hbm>>
        %dma_wait3A_179 = tpu.memref_squeeze %dma_wait3A_178 : memref<1x1x4x128xi32, #tpu.memory_space<hbm>> -> memref<4x128xi32, #tpu.memory_space<hbm>>
        tpu.wait_dma2 semaphore(%run_scoped3A_163 : memref<!tpu.dma_semaphore, #tpu.memory_space<semaphore_mem>>) src(%dma_wait3A_179 : memref<4x128xi32, #tpu.memory_space<hbm>>) dst(%arg8 : memref<4x128xi32, #tpu.memory_space<vmem>>)
        tpu.yield
      }) : () -> ()
      %dma_wait3A_42 = arith.constant 0 : i32
      %dma_wait3A_43 = arith.constant 0 : i32
      %dma_wait3A_44 = tpu.memref_slice %arg2[%dma_wait3A_42, %dma_wait3A_43] : memref<10000x128xf32, #tpu.memory_space<hbm>> -> memref<128x128xf32, #tpu.memory_space<hbm>>
      %dma_wait3A_45 = arith.constant 0 : i32
      %dma_wait3A_46 = arith.constant 0 : i32
      %dma_wait3A_47 = tpu.memref_slice %arg2[%dma_wait3A_45, %dma_wait3A_46] : memref<10000x128xf32, #tpu.memory_space<hbm>> -> memref<128x128xf32, #tpu.memory_space<hbm>>
      tpu.wait_dma2 semaphore(%arg11 : memref<!tpu.dma_semaphore, #tpu.memory_space<semaphore_mem>>) src(%dma_wait3A_47 : memref<128x128xf32, #tpu.memory_space<hbm>>) dst(%arg9 : memref<128x128xf32, #tpu.memory_space<vmem>>)
      %dma_start3A_48 = arith.constant 2 : i32
      %dma_start3A_49 = arith.constant 0 : i32
      %dma_start3A_50 = tpu.memref_slice %arg7[%dma_start3A_48, %dma_start3A_49] : memref<4x128xi32, #tpu.memory_space<vmem>> -> memref<1x128xi32, #tpu.memory_space<vmem>>
      %dma_start3A_51 = tpu.memref_squeeze %dma_start3A_50 : memref<1x128xi32, #tpu.memory_space<vmem>> -> memref<128xi32, #tpu.memory_space<vmem>>
      %dma_start3A_52 = arith.constant 0 : i32
      %dma_start3A_53 = arith.constant 0 : i32
      %dma_start3A_54 = tpu.memref_slice %arg6[%dma_start3A_52, %dma_start3A_53] : memref<10112x128xf32, #tpu.memory_space<vmem_shared>> -> memref<10112x128xf32, #tpu.memory_space<vmem_shared>>
      tpu.enqueue_indirect_dma source(%arg9 : memref<128x128xf32, #tpu.memory_space<vmem>>) target(%dma_start3A_54 : memref<10112x128xf32, #tpu.memory_space<vmem_shared>>) offsets(%dma_start3A_51 : memref<128xi32, #tpu.memory_space<vmem>>) semaphore(%arg13 : memref<!tpu.dma_semaphore, #tpu.memory_space<semaphore_mem>>) {add = true}
      %dma_wait3A_55 = arith.constant 2 : i32
      %dma_wait3A_56 = arith.constant 0 : i32
      %dma_wait3A_57 = tpu.memref_slice %arg7[%dma_wait3A_55, %dma_wait3A_56] : memref<4x128xi32, #tpu.memory_space<vmem>> -> memref<1x128xi32, #tpu.memory_space<vmem>>
      %dma_wait3A_58 = tpu.memref_squeeze %dma_wait3A_57 : memref<1x128xi32, #tpu.memory_space<vmem>> -> memref<128xi32, #tpu.memory_space<vmem>>
      %dma_wait3A_59 = arith.constant 0 : i32
      %dma_wait3A_60 = arith.constant 0 : i32
      %dma_wait3A_61 = tpu.memref_slice %arg6[%dma_wait3A_59, %dma_wait3A_60] : memref<10112x128xf32, #tpu.memory_space<vmem_shared>> -> memref<10112x128xf32, #tpu.memory_space<vmem_shared>>
      tpu.wait_indirect_dma semaphore(%arg13 : memref<!tpu.dma_semaphore, #tpu.memory_space<semaphore_mem>>) src(%arg9 : memref<128x128xf32, #tpu.memory_space<vmem>>) dst(%dma_wait3A_61 : memref<10112x128xf32, #tpu.memory_space<vmem_shared>>)
      %add3A_62 = arith.constant 2 : i32
      %add3A_63 = arith.addi %add3A_38, %add3A_62 : i32
      %dma_start3A_64 = arith.constant 0 : i32
      %dma_start3A_65 = arith.constant 0 : i32
      %dma_start3A_66 = tpu.memref_slice %arg8[%dma_start3A_64, %dma_start3A_65] : memref<4x128xi32, #tpu.memory_space<vmem>> -> memref<1x128xi32, #tpu.memory_space<vmem>>
      %dma_start3A_67 = tpu.memref_squeeze %dma_start3A_66 : memref<1x128xi32, #tpu.memory_space<vmem>> -> memref<128xi32, #tpu.memory_space<vmem>>
      %dma_start3A_68 = arith.constant 0 : i32
      %dma_start3A_69 = arith.constant 0 : i32
      %dma_start3A_70 = tpu.memref_slice %arg2[%dma_start3A_68, %dma_start3A_69] : memref<10000x128xf32, #tpu.memory_space<hbm>> -> memref<10000x128xf32, #tpu.memory_space<hbm>>
      tpu.enqueue_indirect_dma source(%dma_start3A_70 : memref<10000x128xf32, #tpu.memory_space<hbm>>) target(%arg9 : memref<128x128xf32, #tpu.memory_space<vmem>>) offsets(%dma_start3A_67 : memref<128xi32, #tpu.memory_space<vmem>>) semaphore(%arg11 : memref<!tpu.dma_semaphore, #tpu.memory_space<semaphore_mem>>)
      %dma_wait3A_71 = arith.constant 0 : i32
      %dma_wait3A_72 = arith.constant 0 : i32
      %dma_wait3A_73 = tpu.memref_slice %arg2[%dma_wait3A_71, %dma_wait3A_72] : memref<10000x128xf32, #tpu.memory_space<hbm>> -> memref<128x128xf32, #tpu.memory_space<hbm>>
      %dma_wait3A_74 = arith.constant 0 : i32
      %dma_wait3A_75 = arith.constant 0 : i32
      %dma_wait3A_76 = tpu.memref_slice %arg2[%dma_wait3A_74, %dma_wait3A_75] : memref<10000x128xf32, #tpu.memory_space<hbm>> -> memref<128x128xf32, #tpu.memory_space<hbm>>
      tpu.wait_dma2 semaphore(%arg12 : memref<!tpu.dma_semaphore, #tpu.memory_space<semaphore_mem>>) src(%dma_wait3A_76 : memref<128x128xf32, #tpu.memory_space<hbm>>) dst(%arg10 : memref<128x128xf32, #tpu.memory_space<vmem>>)
      %dma_start3A_77 = arith.constant 3 : i32
      %dma_start3A_78 = arith.constant 0 : i32
      %dma_start3A_79 = tpu.memref_slice %arg7[%dma_start3A_77, %dma_start3A_78] : memref<4x128xi32, #tpu.memory_space<vmem>> -> memref<1x128xi32, #tpu.memory_space<vmem>>
      %dma_start3A_80 = tpu.memref_squeeze %dma_start3A_79 : memref<1x128xi32, #tpu.memory_space<vmem>> -> memref<128xi32, #tpu.memory_space<vmem>>
      %dma_start3A_81 = arith.constant 0 : i32
      %dma_start3A_82 = arith.constant 0 : i32
      %dma_start3A_83 = tpu.memref_slice %arg6[%dma_start3A_81, %dma_start3A_82] : memref<10112x128xf32, #tpu.memory_space<vmem_shared>> -> memref<10112x128xf32, #tpu.memory_space<vmem_shared>>
      tpu.enqueue_indirect_dma source(%arg10 : memref<128x128xf32, #tpu.memory_space<vmem>>) target(%dma_start3A_83 : memref<10112x128xf32, #tpu.memory_space<vmem_shared>>) offsets(%dma_start3A_80 : memref<128xi32, #tpu.memory_space<vmem>>) semaphore(%arg14 : memref<!tpu.dma_semaphore, #tpu.memory_space<semaphore_mem>>) {add = true}
      %dma_wait3A_84 = arith.constant 3 : i32
      %dma_wait3A_85 = arith.constant 0 : i32
      %dma_wait3A_86 = tpu.memref_slice %arg7[%dma_wait3A_84, %dma_wait3A_85] : memref<4x128xi32, #tpu.memory_space<vmem>> -> memref<1x128xi32, #tpu.memory_space<vmem>>
      %dma_wait3A_87 = tpu.memref_squeeze %dma_wait3A_86 : memref<1x128xi32, #tpu.memory_space<vmem>> -> memref<128xi32, #tpu.memory_space<vmem>>
      %dma_wait3A_88 = arith.constant 0 : i32
      %dma_wait3A_89 = arith.constant 0 : i32
      %dma_wait3A_90 = tpu.memref_slice %arg6[%dma_wait3A_88, %dma_wait3A_89] : memref<10112x128xf32, #tpu.memory_space<vmem_shared>> -> memref<10112x128xf32, #tpu.memory_space<vmem_shared>>
      tpu.wait_indirect_dma semaphore(%arg14 : memref<!tpu.dma_semaphore, #tpu.memory_space<semaphore_mem>>) src(%arg10 : memref<128x128xf32, #tpu.memory_space<vmem>>) dst(%dma_wait3A_90 : memref<10112x128xf32, #tpu.memory_space<vmem_shared>>)
      %add3A_91 = arith.constant 2 : i32
      %add3A_92 = arith.addi %add3A_38, %add3A_91 : i32
      %dma_start3A_93 = arith.constant 1 : i32
      %dma_start3A_94 = arith.constant 0 : i32
      %dma_start3A_95 = tpu.memref_slice %arg8[%dma_start3A_93, %dma_start3A_94] : memref<4x128xi32, #tpu.memory_space<vmem>> -> memref<1x128xi32, #tpu.memory_space<vmem>>
      %dma_start3A_96 = tpu.memref_squeeze %dma_start3A_95 : memref<1x128xi32, #tpu.memory_space<vmem>> -> memref<128xi32, #tpu.memory_space<vmem>>
      %dma_start3A_97 = arith.constant 0 : i32
      %dma_start3A_98 = arith.constant 0 : i32
      %dma_start3A_99 = tpu.memref_slice %arg2[%dma_start3A_97, %dma_start3A_98] : memref<10000x128xf32, #tpu.memory_space<hbm>> -> memref<10000x128xf32, #tpu.memory_space<hbm>>
      tpu.enqueue_indirect_dma source(%dma_start3A_99 : memref<10000x128xf32, #tpu.memory_space<hbm>>) target(%arg10 : memref<128x128xf32, #tpu.memory_space<vmem>>) offsets(%dma_start3A_96 : memref<128xi32, #tpu.memory_space<vmem>>) semaphore(%arg12 : memref<!tpu.dma_semaphore, #tpu.memory_space<semaphore_mem>>)
      %add3A_100 = arith.constant 2 : i32
      %add3A_101 = arith.addi %add3A_38, %add3A_100 : i32
      %add3A_102 = arith.constant 2 : i32
      %add3A_103 = arith.addi %add3A_101, %add3A_102 : i32
      %run_scoped3A_104 = arith.constant 0 : i32
      "tpu.region"() ({
        %run_scoped3A_163 = tpu.sem_alloc : memref<!tpu.dma_semaphore, #tpu.memory_space<semaphore_mem>>
        %dma_start3A_164 = arith.constant 0 : i32
        %dma_start3A_165 = arith.constant 0 : i32
        %dma_start3A_166 = tpu.memref_slice %arg3[%run_scoped3A_104, %add3A_103, %dma_start3A_164, %dma_start3A_165] : memref<2x1282x4x128xi32, #tpu.memory_space<hbm>> -> memref<1x1x4x128xi32, #tpu.memory_space<hbm>>
        %dma_start3A_167 = tpu.memref_squeeze %dma_start3A_166 : memref<1x1x4x128xi32, #tpu.memory_space<hbm>> -> memref<4x128xi32, #tpu.memory_space<hbm>>
        %dma_start3A_168 = arith.constant 0 : i32
        %dma_start3A_169 = arith.constant 0 : i32
        %dma_start3A_170 = tpu.memref_slice %arg3[%run_scoped3A_104, %add3A_103, %dma_start3A_168, %dma_start3A_169] : memref<2x1282x4x128xi32, #tpu.memory_space<hbm>> -> memref<1x1x4x128xi32, #tpu.memory_space<hbm>>
        %dma_start3A_171 = tpu.memref_squeeze %dma_start3A_170 : memref<1x1x4x128xi32, #tpu.memory_space<hbm>> -> memref<4x128xi32, #tpu.memory_space<hbm>>
        tpu.enqueue_dma source(%dma_start3A_171 : memref<4x128xi32, #tpu.memory_space<hbm>>) target(%arg7 : memref<4x128xi32, #tpu.memory_space<vmem>>) target_semaphore(%run_scoped3A_163 : memref<!tpu.dma_semaphore, #tpu.memory_space<semaphore_mem>>)
        %dma_wait3A_172 = arith.constant 0 : i32
        %dma_wait3A_173 = arith.constant 0 : i32
        %dma_wait3A_174 = tpu.memref_slice %arg3[%run_scoped3A_104, %add3A_103, %dma_wait3A_172, %dma_wait3A_173] : memref<2x1282x4x128xi32, #tpu.memory_space<hbm>> -> memref<1x1x4x128xi32, #tpu.memory_space<hbm>>
        %dma_wait3A_175 = tpu.memref_squeeze %dma_wait3A_174 : memref<1x1x4x128xi32, #tpu.memory_space<hbm>> -> memref<4x128xi32, #tpu.memory_space<hbm>>
        %dma_wait3A_176 = arith.constant 0 : i32
        %dma_wait3A_177 = arith.constant 0 : i32
        %dma_wait3A_178 = tpu.memref_slice %arg3[%run_scoped3A_104, %add3A_103, %dma_wait3A_176, %dma_wait3A_177] : memref<2x1282x4x128xi32, #tpu.memory_space<hbm>> -> memref<1x1x4x128xi32, #tpu.memory_space<hbm>>
        %dma_wait3A_179 = tpu.memref_squeeze %dma_wait3A_178 : memref<1x1x4x128xi32, #tpu.memory_space<hbm>> -> memref<4x128xi32, #tpu.memory_space<hbm>>
        tpu.wait_dma2 semaphore(%run_scoped3A_163 : memref<!tpu.dma_semaphore, #tpu.memory_space<semaphore_mem>>) src(%dma_wait3A_179 : memref<4x128xi32, #tpu.memory_space<hbm>>) dst(%arg7 : memref<4x128xi32, #tpu.memory_space<vmem>>)
        tpu.yield
      }) : () -> ()
      %dma_wait3A_105 = arith.constant 0 : i32
      %dma_wait3A_106 = arith.constant 0 : i32
      %dma_wait3A_107 = tpu.memref_slice %arg2[%dma_wait3A_105, %dma_wait3A_106] : memref<10000x128xf32, #tpu.memory_space<hbm>> -> memref<128x128xf32, #tpu.memory_space<hbm>>
      %dma_wait3A_108 = arith.constant 0 : i32
      %dma_wait3A_109 = arith.constant 0 : i32
      %dma_wait3A_110 = tpu.memref_slice %arg2[%dma_wait3A_108, %dma_wait3A_109] : memref<10000x128xf32, #tpu.memory_space<hbm>> -> memref<128x128xf32, #tpu.memory_space<hbm>>
      tpu.wait_dma2 semaphore(%arg11 : memref<!tpu.dma_semaphore, #tpu.memory_space<semaphore_mem>>) src(%dma_wait3A_110 : memref<128x128xf32, #tpu.memory_space<hbm>>) dst(%arg9 : memref<128x128xf32, #tpu.memory_space<vmem>>)
      %dma_start3A_111 = arith.constant 2 : i32
      %dma_start3A_112 = arith.constant 0 : i32
      %dma_start3A_113 = tpu.memref_slice %arg8[%dma_start3A_111, %dma_start3A_112] : memref<4x128xi32, #tpu.memory_space<vmem>> -> memref<1x128xi32, #tpu.memory_space<vmem>>
      %dma_start3A_114 = tpu.memref_squeeze %dma_start3A_113 : memref<1x128xi32, #tpu.memory_space<vmem>> -> memref<128xi32, #tpu.memory_space<vmem>>
      %dma_start3A_115 = arith.constant 0 : i32
      %dma_start3A_116 = arith.constant 0 : i32
      %dma_start3A_117 = tpu.memref_slice %arg6[%dma_start3A_115, %dma_start3A_116] : memref<10112x128xf32, #tpu.memory_space<vmem_shared>> -> memref<10112x128xf32, #tpu.memory_space<vmem_shared>>
      tpu.enqueue_indirect_dma source(%arg9 : memref<128x128xf32, #tpu.memory_space<vmem>>) target(%dma_start3A_117 : memref<10112x128xf32, #tpu.memory_space<vmem_shared>>) offsets(%dma_start3A_114 : memref<128xi32, #tpu.memory_space<vmem>>) semaphore(%arg13 : memref<!tpu.dma_semaphore, #tpu.memory_space<semaphore_mem>>) {add = true}
      %dma_wait3A_118 = arith.constant 2 : i32
      %dma_wait3A_119 = arith.constant 0 : i32
      %dma_wait3A_120 = tpu.memref_slice %arg8[%dma_wait3A_118, %dma_wait3A_119] : memref<4x128xi32, #tpu.memory_space<vmem>> -> memref<1x128xi32, #tpu.memory_space<vmem>>
      %dma_wait3A_121 = tpu.memref_squeeze %dma_wait3A_120 : memref<1x128xi32, #tpu.memory_space<vmem>> -> memref<128xi32, #tpu.memory_space<vmem>>
      %dma_wait3A_122 = arith.constant 0 : i32
      %dma_wait3A_123 = arith.constant 0 : i32
      %dma_wait3A_124 = tpu.memref_slice %arg6[%dma_wait3A_122, %dma_wait3A_123] : memref<10112x128xf32, #tpu.memory_space<vmem_shared>> -> memref<10112x128xf32, #tpu.memory_space<vmem_shared>>
      tpu.wait_indirect_dma semaphore(%arg13 : memref<!tpu.dma_semaphore, #tpu.memory_space<semaphore_mem>>) src(%arg9 : memref<128x128xf32, #tpu.memory_space<vmem>>) dst(%dma_wait3A_124 : memref<10112x128xf32, #tpu.memory_space<vmem_shared>>)
      %add3A_125 = arith.constant 2 : i32
      %add3A_126 = arith.addi %add3A_101, %add3A_125 : i32
      %dma_start3A_127 = arith.constant 0 : i32
      %dma_start3A_128 = arith.constant 0 : i32
      %dma_start3A_129 = tpu.memref_slice %arg7[%dma_start3A_127, %dma_start3A_128] : memref<4x128xi32, #tpu.memory_space<vmem>> -> memref<1x128xi32, #tpu.memory_space<vmem>>
      %dma_start3A_130 = tpu.memref_squeeze %dma_start3A_129 : memref<1x128xi32, #tpu.memory_space<vmem>> -> memref<128xi32, #tpu.memory_space<vmem>>
      %dma_start3A_131 = arith.constant 0 : i32
      %dma_start3A_132 = arith.constant 0 : i32
      %dma_start3A_133 = tpu.memref_slice %arg2[%dma_start3A_131, %dma_start3A_132] : memref<10000x128xf32, #tpu.memory_space<hbm>> -> memref<10000x128xf32, #tpu.memory_space<hbm>>
      tpu.enqueue_indirect_dma source(%dma_start3A_133 : memref<10000x128xf32, #tpu.memory_space<hbm>>) target(%arg9 : memref<128x128xf32, #tpu.memory_space<vmem>>) offsets(%dma_start3A_130 : memref<128xi32, #tpu.memory_space<vmem>>) semaphore(%arg11 : memref<!tpu.dma_semaphore, #tpu.memory_space<semaphore_mem>>)
      %dma_wait3A_134 = arith.constant 0 : i32
      %dma_wait3A_135 = arith.constant 0 : i32
      %dma_wait3A_136 = tpu.memref_slice %arg2[%dma_wait3A_134, %dma_wait3A_135] : memref<10000x128xf32, #tpu.memory_space<hbm>> -> memref<128x128xf32, #tpu.memory_space<hbm>>
      %dma_wait3A_137 = arith.constant 0 : i32
      %dma_wait3A_138 = arith.constant 0 : i32
      %dma_wait3A_139 = tpu.memref_slice %arg2[%dma_wait3A_137, %dma_wait3A_138] : memref<10000x128xf32, #tpu.memory_space<hbm>> -> memref<128x128xf32, #tpu.memory_space<hbm>>
      tpu.wait_dma2 semaphore(%arg12 : memref<!tpu.dma_semaphore, #tpu.memory_space<semaphore_mem>>) src(%dma_wait3A_139 : memref<128x128xf32, #tpu.memory_space<hbm>>) dst(%arg10 : memref<128x128xf32, #tpu.memory_space<vmem>>)
      %dma_start3A_140 = arith.constant 3 : i32
      %dma_start3A_141 = arith.constant 0 : i32
      %dma_start3A_142 = tpu.memref_slice %arg8[%dma_start3A_140, %dma_start3A_141] : memref<4x128xi32, #tpu.memory_space<vmem>> -> memref<1x128xi32, #tpu.memory_space<vmem>>
      %dma_start3A_143 = tpu.memref_squeeze %dma_start3A_142 : memref<1x128xi32, #tpu.memory_space<vmem>> -> memref<128xi32, #tpu.memory_space<vmem>>
      %dma_start3A_144 = arith.constant 0 : i32
      %dma_start3A_145 = arith.constant 0 : i32
      %dma_start3A_146 = tpu.memref_slice %arg6[%dma_start3A_144, %dma_start3A_145] : memref<10112x128xf32, #tpu.memory_space<vmem_shared>> -> memref<10112x128xf32, #tpu.memory_space<vmem_shared>>
      tpu.enqueue_indirect_dma source(%arg10 : memref<128x128xf32, #tpu.memory_space<vmem>>) target(%dma_start3A_146 : memref<10112x128xf32, #tpu.memory_space<vmem_shared>>) offsets(%dma_start3A_143 : memref<128xi32, #tpu.memory_space<vmem>>) semaphore(%arg14 : memref<!tpu.dma_semaphore, #tpu.memory_space<semaphore_mem>>) {add = true}
      %dma_wait3A_147 = arith.constant 3 : i32
      %dma_wait3A_148 = arith.constant 0 : i32
      %dma_wait3A_149 = tpu.memref_slice %arg8[%dma_wait3A_147, %dma_wait3A_148] : memref<4x128xi32, #tpu.memory_space<vmem>> -> memref<1x128xi32, #tpu.memory_space<vmem>>
      %dma_wait3A_150 = tpu.memref_squeeze %dma_wait3A_149 : memref<1x128xi32, #tpu.memory_space<vmem>> -> memref<128xi32, #tpu.memory_space<vmem>>
      %dma_wait3A_151 = arith.constant 0 : i32
      %dma_wait3A_152 = arith.constant 0 : i32
      %dma_wait3A_153 = tpu.memref_slice %arg6[%dma_wait3A_151, %dma_wait3A_152] : memref<10112x128xf32, #tpu.memory_space<vmem_shared>> -> memref<10112x128xf32, #tpu.memory_space<vmem_shared>>
      tpu.wait_indirect_dma semaphore(%arg14 : memref<!tpu.dma_semaphore, #tpu.memory_space<semaphore_mem>>) src(%arg10 : memref<128x128xf32, #tpu.memory_space<vmem>>) dst(%dma_wait3A_153 : memref<10112x128xf32, #tpu.memory_space<vmem_shared>>)
      %add3A_154 = arith.constant 2 : i32
      %add3A_155 = arith.addi %add3A_101, %add3A_154 : i32
      %dma_start3A_156 = arith.constant 1 : i32
      %dma_start3A_157 = arith.constant 0 : i32
      %dma_start3A_158 = tpu.memref_slice %arg7[%dma_start3A_156, %dma_start3A_157] : memref<4x128xi32, #tpu.memory_space<vmem>> -> memref<1x128xi32, #tpu.memory_space<vmem>>
      %dma_start3A_159 = tpu.memref_squeeze %dma_start3A_158 : memref<1x128xi32, #tpu.memory_space<vmem>> -> memref<128xi32, #tpu.memory_space<vmem>>
      %dma_start3A_160 = arith.constant 0 : i32
      %dma_start3A_161 = arith.constant 0 : i32
      %dma_start3A_162 = tpu.memref_slice %arg2[%dma_start3A_160, %dma_start3A_161] : memref<10000x128xf32, #tpu.memory_space<hbm>> -> memref<10000x128xf32, #tpu.memory_space<hbm>>
      tpu.enqueue_indirect_dma source(%dma_start3A_162 : memref<10000x128xf32, #tpu.memory_space<hbm>>) target(%arg10 : memref<128x128xf32, #tpu.memory_space<vmem>>) offsets(%dma_start3A_159 : memref<128xi32, #tpu.memory_space<vmem>>) semaphore(%arg12 : memref<!tpu.dma_semaphore, #tpu.memory_space<semaphore_mem>>)
    }
    %scan3A_22 = arith.constant 20 : i32
    %dma_wait3A = arith.constant 0 : i32
    %dma_wait3A_23 = arith.constant 0 : i32
    %dma_wait3A_24 = tpu.memref_slice %arg2[%dma_wait3A, %dma_wait3A_23] : memref<10000x128xf32, #tpu.memory_space<hbm>> -> memref<128x128xf32, #tpu.memory_space<hbm>>
    %dma_wait3A_25 = arith.constant 0 : i32
    %dma_wait3A_26 = arith.constant 0 : i32
    %dma_wait3A_27 = tpu.memref_slice %arg2[%dma_wait3A_25, %dma_wait3A_26] : memref<10000x128xf32, #tpu.memory_space<hbm>> -> memref<128x128xf32, #tpu.memory_space<hbm>>
    tpu.wait_dma2 semaphore(%arg11 : memref<!tpu.dma_semaphore, #tpu.memory_space<semaphore_mem>>) src(%dma_wait3A_27 : memref<128x128xf32, #tpu.memory_space<hbm>>) dst(%arg9 : memref<128x128xf32, #tpu.memory_space<vmem>>)
    %dma_wait3A_28 = arith.constant 0 : i32
    %dma_wait3A_29 = arith.constant 0 : i32
    %dma_wait3A_30 = tpu.memref_slice %arg2[%dma_wait3A_28, %dma_wait3A_29] : memref<10000x128xf32, #tpu.memory_space<hbm>> -> memref<128x128xf32, #tpu.memory_space<hbm>>
    %dma_wait3A_31 = arith.constant 0 : i32
    %dma_wait3A_32 = arith.constant 0 : i32
    %dma_wait3A_33 = tpu.memref_slice %arg2[%dma_wait3A_31, %dma_wait3A_32] : memref<10000x128xf32, #tpu.memory_space<hbm>> -> memref<128x128xf32, #tpu.memory_space<hbm>>
    tpu.wait_dma2 semaphore(%arg12 : memref<!tpu.dma_semaphore, #tpu.memory_space<semaphore_mem>>) src(%dma_wait3A_33 : memref<128x128xf32, #tpu.memory_space<hbm>>) dst(%arg10 : memref<128x128xf32, #tpu.memory_space<vmem>>)
    %barrier3A_34 = arith.constant 0 : index
    tpu.barrier barrier_id(%barrier3A_34)
    "tpu.region"() ({
      %run_scoped3A_35 = tpu.sem_alloc : memref<!tpu.dma_semaphore, #tpu.memory_space<semaphore_mem>>
      %dma_start3A_36 = arith.constant 0 : i32
      %dma_start3A_37 = tpu.memref_slice %arg5[%arg0, %mul3A_0, %dma_start3A_36] : memref<2x10112x128xf32, #tpu.memory_space<hbm>> -> memref<1x632x128xf32, #tpu.memory_space<hbm>>
      %dma_start3A_38 = tpu.memref_squeeze %dma_start3A_37 : memref<1x632x128xf32, #tpu.memory_space<hbm>> -> memref<632x128xf32, #tpu.memory_space<hbm>>
      %dma_start3A_39 = arith.constant 0 : i32
      %dma_start3A_40 = tpu.memref_slice %arg6[%mul3A_0, %dma_start3A_39] : memref<10112x128xf32, #tpu.memory_space<vmem_shared>> -> memref<632x128xf32, #tpu.memory_space<vmem_shared>>
      tpu.enqueue_dma source(%dma_start3A_40 : memref<632x128xf32, #tpu.memory_space<vmem_shared>>) target(%dma_start3A_38 : memref<632x128xf32, #tpu.memory_space<hbm>>) target_semaphore(%run_scoped3A_35 : memref<!tpu.dma_semaphore, #tpu.memory_space<semaphore_mem>>)
      %dma_wait3A_41 = arith.constant 0 : i32
      %dma_wait3A_42 = tpu.memref_slice %arg5[%arg0, %mul3A_0, %dma_wait3A_41] : memref<2x10112x128xf32, #tpu.memory_space<hbm>> -> memref<1x632x128xf32, #tpu.memory_space<hbm>>
      %dma_wait3A_43 = tpu.memref_squeeze %dma_wait3A_42 : memref<1x632x128xf32, #tpu.memory_space<hbm>> -> memref<632x128xf32, #tpu.memory_space<hbm>>
      %dma_wait3A_44 = arith.constant 0 : i32
      %dma_wait3A_45 = tpu.memref_slice %arg6[%mul3A_0, %dma_wait3A_44] : memref<10112x128xf32, #tpu.memory_space<vmem_shared>> -> memref<632x128xf32, #tpu.memory_space<vmem_shared>>
      tpu.wait_dma2 semaphore(%run_scoped3A_35 : memref<!tpu.dma_semaphore, #tpu.memory_space<semaphore_mem>>) src(%dma_wait3A_45 : memref<632x128xf32, #tpu.memory_space<vmem_shared>>) dst(%dma_wait3A_43 : memref<632x128xf32, #tpu.memory_space<hbm>>)
      tpu.yield
    }) : () -> ()
    return
  }
}

module attributes {stable_mosaic.version = 14 : i64} {
  func.func @_tc1_body(%arg0: i32, %arg1: memref<400x128xf32, #tpu.memory_space<vmem>>, %arg2: memref<400x128xf32, #tpu.memory_space<vmem>>, %arg3: memref<1x400x128xf32, #tpu.memory_space<vmem>>, %arg4: memref<1x400x128xf32, #tpu.memory_space<vmem>>, %arg5: memref<1x400x128xf32, #tpu.memory_space<vmem>>, %arg6: memref<1x400x128xf32, #tpu.memory_space<vmem>>, %arg7: memref<128x384xf32, #tpu.memory_space<vmem>>, %arg8: memref<128x384xf32, #tpu.memory_space<vmem>>, %arg9: memref<128x384xf32, #tpu.memory_space<vmem>>, %arg10: memref<128x256xf32, #tpu.memory_space<vmem>>, %arg11: memref<128x256xf32, #tpu.memory_space<vmem>>, %arg12: memref<128x128xf32, #tpu.memory_space<vmem>>, %arg13: memref<1x384xf32, #tpu.memory_space<vmem>>, %arg14: memref<400x128xf32, #tpu.memory_space<vmem>>, %arg15: memref<400x128xf32, #tpu.memory_space<vmem>>, %arg16: memref<400x128xf32, #tpu.memory_space<vmem>>) attributes {dimension_semantics = [#tpu.dimension_semantics<arbitrary>], iteration_bounds = array<i64: 25>, scalar_prefetch = 0 : i64, scratch_operands = 0 : i64, tpu.core_type = #tpu.core_type<tc>, window_params = [{transform_indices = @transform_0, window_bounds = array<i64: 400, 128>}, {transform_indices = @transform_1, window_bounds = array<i64: 400, 128>}, {transform_indices = @transform_2, window_bounds = array<i64: 1, 400, 128>}, {transform_indices = @transform_3, window_bounds = array<i64: 1, 400, 128>}, {transform_indices = @transform_4, window_bounds = array<i64: 1, 400, 128>}, {transform_indices = @transform_5, window_bounds = array<i64: 1, 400, 128>}, {pipeline_mode = #tpu.pipeline_mode<synchronous>, transform_indices = @transform_6, window_bounds = array<i64: 128, 384>}, {pipeline_mode = #tpu.pipeline_mode<synchronous>, transform_indices = @transform_7, window_bounds = array<i64: 128, 384>}, {pipeline_mode = #tpu.pipeline_mode<synchronous>, transform_indices = @transform_8, window_bounds = array<i64: 128, 384>}, {pipeline_mode = #tpu.pipeline_mode<synchronous>, transform_indices = @transform_9, window_bounds = array<i64: 128, 256>}, {pipeline_mode = #tpu.pipeline_mode<synchronous>, transform_indices = @transform_10, window_bounds = array<i64: 128, 256>}, {pipeline_mode = #tpu.pipeline_mode<synchronous>, transform_indices = @transform_11, window_bounds = array<i64: 128, 128>}, {pipeline_mode = #tpu.pipeline_mode<synchronous>, transform_indices = @transform_12, window_bounds = array<i64: 1, 384>}, {transform_indices = @transform_13, window_bounds = array<i64: 400, 128>}, {transform_indices = @transform_14, window_bounds = array<i64: 400, 128>}, {transform_indices = @transform_15, window_bounds = array<i64: 400, 128>}]} {
    %get3A = arith.constant 0 : index
    %get3A_0 = arith.constant 0 : index
    %get3A_1 = arith.constant 0 : index
    %get3A_2 = vector.load %arg5[%get3A, %get3A_0, %get3A_1] : memref<1x400x128xf32, #tpu.memory_space<vmem>>, vector<1x400x128xf32>
    %get3A_3 = vector.shape_cast %get3A_2 : vector<1x400x128xf32> to vector<400x128xf32>
    %get3A_4 = arith.constant 0 : index
    %get3A_5 = arith.constant 0 : index
    %get3A_6 = arith.constant 0 : index
    %get3A_7 = vector.load %arg6[%get3A_4, %get3A_5, %get3A_6] : memref<1x400x128xf32, #tpu.memory_space<vmem>>, vector<1x400x128xf32>
    %get3A_8 = vector.shape_cast %get3A_7 : vector<1x400x128xf32> to vector<400x128xf32>
    %add3A = arith.addf %get3A_3, %get3A_8 : vector<400x128xf32>
    %get3A_9 = arith.constant 0 : index
    %get3A_10 = arith.constant 0 : index
    %get3A_11 = vector.load %arg1[%get3A_9, %get3A_10] : memref<400x128xf32, #tpu.memory_space<vmem>>, vector<400x128xf32>
    %get3A_12 = arith.constant 0 : index
    %get3A_13 = arith.constant 0 : index
    %get3A_14 = vector.load %arg7[%get3A_12, %get3A_13] : memref<128x384xf32, #tpu.memory_space<vmem>>, vector<128x384xf32>
    %dot_general3A = arith.constant dense<0.000000e+00> : vector<400x384xf32>
    %dot_general3A_15 = tpu.matmul %get3A_11, %get3A_14, %dot_general3A {dimension_numbers = #tpu.dot_dimension_numbers<[1], [0], [0], [1], [0, 0, 1, 1], [], []>, transpose_lhs_hint = false} : vector<400x128xf32>, vector<128x384xf32>, vector<400x384xf32> -> vector<400x384xf32>
    %get3A_16 = arith.constant 0 : index
    %get3A_17 = arith.constant 0 : index
    %get3A_18 = arith.constant 0 : index
    %get3A_19 = vector.load %arg3[%get3A_16, %get3A_17, %get3A_18] : memref<1x400x128xf32, #tpu.memory_space<vmem>>, vector<1x400x128xf32>
    %get3A_20 = vector.shape_cast %get3A_19 : vector<1x400x128xf32> to vector<400x128xf32>
    %get3A_21 = arith.constant 0 : index
    %get3A_22 = arith.constant 0 : index
    %get3A_23 = vector.load %arg8[%get3A_21, %get3A_22] : memref<128x384xf32, #tpu.memory_space<vmem>>, vector<128x384xf32>
    %dot_general3A_24 = arith.constant dense<0.000000e+00> : vector<400x384xf32>
    %dot_general3A_25 = tpu.matmul %get3A_20, %get3A_23, %dot_general3A_24 {dimension_numbers = #tpu.dot_dimension_numbers<[1], [0], [0], [1], [0, 0, 1, 1], [], []>, transpose_lhs_hint = false} : vector<400x128xf32>, vector<128x384xf32>, vector<400x384xf32> -> vector<400x384xf32>
    %add3A_26 = arith.addf %dot_general3A_15, %dot_general3A_25 : vector<400x384xf32>
    %get3A_27 = arith.constant 0 : index
    %get3A_28 = arith.constant 0 : index
    %get3A_29 = vector.load %arg9[%get3A_27, %get3A_28] : memref<128x384xf32, #tpu.memory_space<vmem>>, vector<128x384xf32>
    %dot_general3A_30 = arith.constant dense<0.000000e+00> : vector<400x384xf32>
    %dot_general3A_31 = tpu.matmul %add3A, %get3A_29, %dot_general3A_30 {dimension_numbers = #tpu.dot_dimension_numbers<[1], [0], [0], [1], [0, 0, 1, 1], [], []>, transpose_lhs_hint = false} : vector<400x128xf32>, vector<128x384xf32>, vector<400x384xf32> -> vector<400x384xf32>
    %add3A_32 = arith.addf %add3A_26, %dot_general3A_31 : vector<400x384xf32>
    %get3A_33 = arith.constant 0 : index
    %get3A_34 = arith.constant 0 : index
    %get3A_35 = vector.load %arg13[%get3A_33, %get3A_34] : memref<1x384xf32, #tpu.memory_space<vmem>>, vector<1x384xf32>
    %add3A_36 = vector.broadcast %get3A_35 : vector<1x384xf32> to vector<400x384xf32>
    %add3A_37 = arith.addf %add3A_32, %add3A_36 : vector<400x384xf32>
    %slice3A = vector.extract_strided_slice %add3A_37 {offsets = [0, 0], sizes = [400, 256], strides = [1, 1]} : vector<400x384xf32> to vector<400x256xf32>
    %get3A_38 = arith.constant 0 : index
    %get3A_39 = arith.constant 0 : index
    %get3A_40 = vector.load %arg2[%get3A_38, %get3A_39] : memref<400x128xf32, #tpu.memory_space<vmem>>, vector<400x128xf32>
    %get3A_41 = arith.constant 0 : index
    %get3A_42 = arith.constant 0 : index
    %get3A_43 = vector.load %arg10[%get3A_41, %get3A_42] : memref<128x256xf32, #tpu.memory_space<vmem>>, vector<128x256xf32>
    %dot_general3A_44 = arith.constant dense<0.000000e+00> : vector<400x256xf32>
    %dot_general3A_45 = tpu.matmul %get3A_40, %get3A_43, %dot_general3A_44 {dimension_numbers = #tpu.dot_dimension_numbers<[1], [0], [0], [1], [0, 0, 1, 1], [], []>, transpose_lhs_hint = false} : vector<400x128xf32>, vector<128x256xf32>, vector<400x256xf32> -> vector<400x256xf32>
    %add3A_46 = arith.addf %slice3A, %dot_general3A_45 : vector<400x256xf32>
    %get3A_47 = arith.constant 0 : index
    %get3A_48 = arith.constant 0 : index
    %get3A_49 = arith.constant 0 : index
    %get3A_50 = vector.load %arg4[%get3A_47, %get3A_48, %get3A_49] : memref<1x400x128xf32, #tpu.memory_space<vmem>>, vector<1x400x128xf32>
    %get3A_51 = vector.shape_cast %get3A_50 : vector<1x400x128xf32> to vector<400x128xf32>
    %get3A_52 = arith.constant 0 : index
    %get3A_53 = arith.constant 0 : index
    %get3A_54 = vector.load %arg11[%get3A_52, %get3A_53] : memref<128x256xf32, #tpu.memory_space<vmem>>, vector<128x256xf32>
    %dot_general3A_55 = arith.constant dense<0.000000e+00> : vector<400x256xf32>
    %dot_general3A_56 = tpu.matmul %get3A_51, %get3A_54, %dot_general3A_55 {dimension_numbers = #tpu.dot_dimension_numbers<[1], [0], [0], [1], [0, 0, 1, 1], [], []>, transpose_lhs_hint = false} : vector<400x128xf32>, vector<128x256xf32>, vector<400x256xf32> -> vector<400x256xf32>
    %add3A_57 = arith.addf %add3A_46, %dot_general3A_56 : vector<400x256xf32>
    %slice3A_58 = vector.extract_strided_slice %add3A_57 {offsets = [0, 0], sizes = [400, 128], strides = [1, 1]} : vector<400x256xf32> to vector<400x128xf32>
    %logistic3A = arith.negf %slice3A_58 : vector<400x128xf32>
    %logistic3A_59 = math.exp %logistic3A : vector<400x128xf32>
    %logistic3A_60 = arith.constant 1.000000e+00 : f32
    %logistic3A_61 = vector.broadcast %logistic3A_60 : f32 to vector<400x128xf32>
    %logistic3A_62 = arith.addf %logistic3A_61, %logistic3A_59 : vector<400x128xf32>
    %logistic3A_63 = arith.divf %logistic3A_61, %logistic3A_62 : vector<400x128xf32>
    %slice3A_64 = vector.extract_strided_slice %add3A_57 {offsets = [0, 128], sizes = [400, 128], strides = [1, 1]} : vector<400x256xf32> to vector<400x128xf32>
    %logistic3A_65 = arith.negf %slice3A_64 : vector<400x128xf32>
    %logistic3A_66 = math.exp %logistic3A_65 : vector<400x128xf32>
    %logistic3A_67 = arith.constant 1.000000e+00 : f32
    %logistic3A_68 = vector.broadcast %logistic3A_67 : f32 to vector<400x128xf32>
    %logistic3A_69 = arith.addf %logistic3A_68, %logistic3A_66 : vector<400x128xf32>
    %logistic3A_70 = arith.divf %logistic3A_68, %logistic3A_69 : vector<400x128xf32>
    %get3A_71 = arith.constant 0 : index
    %get3A_72 = arith.constant 0 : index
    %get3A_73 = vector.load %arg2[%get3A_71, %get3A_72] : memref<400x128xf32, #tpu.memory_space<vmem>>, vector<400x128xf32>
    %mul3A = arith.mulf %get3A_73, %logistic3A_70 : vector<400x128xf32>
    %swap3A = arith.constant 0 : index
    %swap3A_74 = arith.constant 0 : index
    %swap3A_75 = vector.load %arg14[%swap3A, %swap3A_74] : memref<400x128xf32, #tpu.memory_space<vmem>>, vector<400x128xf32>
    tpu.vector_store %arg14[%swap3A, %swap3A_74], %logistic3A_63 {strides = array<i32>} : memref<400x128xf32, #tpu.memory_space<vmem>>, vector<400x128xf32>,
    %swap3A_76 = arith.constant 0 : index
    %swap3A_77 = arith.constant 0 : index
    %swap3A_78 = vector.load %arg15[%swap3A_76, %swap3A_77] : memref<400x128xf32, #tpu.memory_space<vmem>>, vector<400x128xf32>
    tpu.vector_store %arg15[%swap3A_76, %swap3A_77], %mul3A {strides = array<i32>} : memref<400x128xf32, #tpu.memory_space<vmem>>, vector<400x128xf32>,
    %slice3A_79 = vector.extract_strided_slice %add3A_37 {offsets = [0, 256], sizes = [400, 128], strides = [1, 1]} : vector<400x384xf32> to vector<400x128xf32>
    %get3A_80 = arith.constant 0 : index
    %get3A_81 = arith.constant 0 : index
    %get3A_82 = vector.load %arg12[%get3A_80, %get3A_81] : memref<128x128xf32, #tpu.memory_space<vmem>>, vector<128x128xf32>
    %dot_general3A_83 = arith.constant dense<0.000000e+00> : vector<400x128xf32>
    %dot_general3A_84 = tpu.matmul %mul3A, %get3A_82, %dot_general3A_83 {dimension_numbers = #tpu.dot_dimension_numbers<[1], [0], [0], [1], [0, 0, 1, 1], [], []>, transpose_lhs_hint = false} : vector<400x128xf32>, vector<128x128xf32>, vector<400x128xf32> -> vector<400x128xf32>
    %add3A_85 = arith.addf %slice3A_79, %dot_general3A_84 : vector<400x128xf32>
    %swap3A_86 = arith.constant 0 : index
    %swap3A_87 = arith.constant 0 : index
    %swap3A_88 = vector.load %arg16[%swap3A_86, %swap3A_87] : memref<400x128xf32, #tpu.memory_space<vmem>>, vector<400x128xf32>
    tpu.vector_store %arg16[%swap3A_86, %swap3A_87], %add3A_85 {strides = array<i32>} : memref<400x128xf32, #tpu.memory_space<vmem>>, vector<400x128xf32>,
    return
  }
  func.func @transform_0(%arg0: i32) -> (i32, i32) {
    %c0_i32 = arith.constant 0 : i32
    %c0_i32_0 = arith.constant 0 : i32
    return %arg0, %c0_i32 : i32, i32
  }
  func.func @transform_1(%arg0: i32) -> (i32, i32) {
    %c0_i32 = arith.constant 0 : i32
    %c0_i32_0 = arith.constant 0 : i32
    return %arg0, %c0_i32 : i32, i32
  }
  func.func @transform_2(%arg0: i32) -> (i32, i32, i32) {
    %c0_i32 = arith.constant 0 : i32
    %c0_i32_0 = arith.constant 0 : i32
    %c0_i32_1 = arith.constant 0 : i32
    return %c0_i32, %arg0, %c0_i32_0 : i32, i32, i32
  }
  func.func @transform_3(%arg0: i32) -> (i32, i32, i32) {
    %c1_i32 = arith.constant 1 : i32
    %c0_i32 = arith.constant 0 : i32
    %c0_i32_0 = arith.constant 0 : i32
    return %c1_i32, %arg0, %c0_i32 : i32, i32, i32
  }
  func.func @transform_4(%arg0: i32) -> (i32, i32, i32) {
    %c0_i32 = arith.constant 0 : i32
    %c0_i32_0 = arith.constant 0 : i32
    %c0_i32_1 = arith.constant 0 : i32
    return %c0_i32, %arg0, %c0_i32_0 : i32, i32, i32
  }
  func.func @transform_5(%arg0: i32) -> (i32, i32, i32) {
    %c1_i32 = arith.constant 1 : i32
    %c0_i32 = arith.constant 0 : i32
    %c0_i32_0 = arith.constant 0 : i32
    return %c1_i32, %arg0, %c0_i32 : i32, i32, i32
  }
  func.func @transform_6(%arg0: i32) -> (i32, i32) {
    %c0_i32 = arith.constant 0 : i32
    %c0_i32_0 = arith.constant 0 : i32
    %c0_i32_1 = arith.constant 0 : i32
    return %c0_i32, %c0_i32_0 : i32, i32
  }
  func.func @transform_7(%arg0: i32) -> (i32, i32) {
    %c0_i32 = arith.constant 0 : i32
    %c0_i32_0 = arith.constant 0 : i32
    %c0_i32_1 = arith.constant 0 : i32
    return %c0_i32, %c0_i32_0 : i32, i32
  }
  func.func @transform_8(%arg0: i32) -> (i32, i32) {
    %c0_i32 = arith.constant 0 : i32
    %c0_i32_0 = arith.constant 0 : i32
    %c0_i32_1 = arith.constant 0 : i32
    return %c0_i32, %c0_i32_0 : i32, i32
  }
  func.func @transform_9(%arg0: i32) -> (i32, i32) {
    %c0_i32 = arith.constant 0 : i32
    %c0_i32_0 = arith.constant 0 : i32
    %c0_i32_1 = arith.constant 0 : i32
    return %c0_i32, %c0_i32_0 : i32, i32
  }
  func.func @transform_10(%arg0: i32) -> (i32, i32) {
    %c0_i32 = arith.constant 0 : i32
    %c0_i32_0 = arith.constant 0 : i32
    %c0_i32_1 = arith.constant 0 : i32
    return %c0_i32, %c0_i32_0 : i32, i32
  }
  func.func @transform_11(%arg0: i32) -> (i32, i32) {
    %c0_i32 = arith.constant 0 : i32
    %c0_i32_0 = arith.constant 0 : i32
    %c0_i32_1 = arith.constant 0 : i32
    return %c0_i32, %c0_i32_0 : i32, i32
  }
  func.func @transform_12(%arg0: i32) -> (i32, i32) {
    %c0_i32 = arith.constant 0 : i32
    %c0_i32_0 = arith.constant 0 : i32
    %c0_i32_1 = arith.constant 0 : i32
    return %c0_i32, %c0_i32_0 : i32, i32
  }
  func.func @transform_13(%arg0: i32) -> (i32, i32) {
    %c0_i32 = arith.constant 0 : i32
    %c0_i32_0 = arith.constant 0 : i32
    return %arg0, %c0_i32 : i32, i32
  }
  func.func @transform_14(%arg0: i32) -> (i32, i32) {
    %c0_i32 = arith.constant 0 : i32
    %c0_i32_0 = arith.constant 0 : i32
    return %arg0, %c0_i32 : i32, i32
  }
  func.func @transform_15(%arg0: i32) -> (i32, i32) {
    %c0_i32 = arith.constant 0 : i32
    %c0_i32_0 = arith.constant 0 : i32
    return %arg0, %c0_i32 : i32, i32
  }
}

module attributes {stable_mosaic.version = 14 : i64} {
  func.func @_tc2_body(%arg0: i32, %arg1: memref<400x128xf32, #tpu.memory_space<vmem>>, %arg2: memref<400x128xf32, #tpu.memory_space<vmem>>, %arg3: memref<400x128xf32, #tpu.memory_space<vmem>>, %arg4: memref<1x400x128xf32, #tpu.memory_space<vmem>>, %arg5: memref<1x400x128xf32, #tpu.memory_space<vmem>>, %arg6: memref<128x128xf32, #tpu.memory_space<vmem>>, %arg7: memref<400x128xf32, #tpu.memory_space<vmem>>) attributes {dimension_semantics = [#tpu.dimension_semantics<arbitrary>], iteration_bounds = array<i64: 25>, scalar_prefetch = 0 : i64, scratch_operands = 0 : i64, tpu.core_type = #tpu.core_type<tc>, window_params = [{transform_indices = @transform_0, window_bounds = array<i64: 400, 128>}, {transform_indices = @transform_1, window_bounds = array<i64: 400, 128>}, {transform_indices = @transform_2, window_bounds = array<i64: 400, 128>}, {transform_indices = @transform_3, window_bounds = array<i64: 1, 400, 128>}, {transform_indices = @transform_4, window_bounds = array<i64: 1, 400, 128>}, {pipeline_mode = #tpu.pipeline_mode<synchronous>, transform_indices = @transform_5, window_bounds = array<i64: 128, 128>}, {transform_indices = @transform_6, window_bounds = array<i64: 400, 128>}]} {
    %get3A = arith.constant 0 : index
    %get3A_0 = arith.constant 0 : index
    %get3A_1 = arith.constant 0 : index
    %get3A_2 = vector.load %arg4[%get3A, %get3A_0, %get3A_1] : memref<1x400x128xf32, #tpu.memory_space<vmem>>, vector<1x400x128xf32>
    %get3A_3 = vector.shape_cast %get3A_2 : vector<1x400x128xf32> to vector<400x128xf32>
    %get3A_4 = arith.constant 0 : index
    %get3A_5 = arith.constant 0 : index
    %get3A_6 = arith.constant 0 : index
    %get3A_7 = vector.load %arg5[%get3A_4, %get3A_5, %get3A_6] : memref<1x400x128xf32, #tpu.memory_space<vmem>>, vector<1x400x128xf32>
    %get3A_8 = vector.shape_cast %get3A_7 : vector<1x400x128xf32> to vector<400x128xf32>
    %add3A = arith.addf %get3A_3, %get3A_8 : vector<400x128xf32>
    %get3A_9 = arith.constant 0 : index
    %get3A_10 = arith.constant 0 : index
    %get3A_11 = vector.load %arg3[%get3A_9, %get3A_10] : memref<400x128xf32, #tpu.memory_space<vmem>>, vector<400x128xf32>
    %get3A_12 = arith.constant 0 : index
    %get3A_13 = arith.constant 0 : index
    %get3A_14 = vector.load %arg6[%get3A_12, %get3A_13] : memref<128x128xf32, #tpu.memory_space<vmem>>, vector<128x128xf32>
    %dot_general3A = arith.constant dense<0.000000e+00> : vector<400x128xf32>
    %dot_general3A_15 = tpu.matmul %add3A, %get3A_14, %dot_general3A {dimension_numbers = #tpu.dot_dimension_numbers<[1], [0], [0], [1], [0, 0, 1, 1], [], []>, transpose_lhs_hint = false} : vector<400x128xf32>, vector<128x128xf32>, vector<400x128xf32> -> vector<400x128xf32>
    %add3A_16 = arith.addf %get3A_11, %dot_general3A_15 : vector<400x128xf32>
    %tanh3A = math.tanh %add3A_16 : vector<400x128xf32>
    %get3A_17 = arith.constant 0 : index
    %get3A_18 = arith.constant 0 : index
    %get3A_19 = vector.load %arg1[%get3A_17, %get3A_18] : memref<400x128xf32, #tpu.memory_space<vmem>>, vector<400x128xf32>
    %get3A_20 = arith.constant 0 : index
    %get3A_21 = arith.constant 0 : index
    %get3A_22 = vector.load %arg2[%get3A_20, %get3A_21] : memref<400x128xf32, #tpu.memory_space<vmem>>, vector<400x128xf32>
    %mul3A = arith.mulf %get3A_19, %get3A_22 : vector<400x128xf32>
    %get3A_23 = arith.constant 0 : index
    %get3A_24 = arith.constant 0 : index
    %get3A_25 = vector.load %arg1[%get3A_23, %get3A_24] : memref<400x128xf32, #tpu.memory_space<vmem>>, vector<400x128xf32>
    %sub3A = arith.constant 1.000000e+00 : f32
    %sub3A_26 = vector.broadcast %sub3A : f32 to vector<400x128xf32>
    %sub3A_27 = arith.subf %sub3A_26, %get3A_25 : vector<400x128xf32>
    %mul3A_28 = arith.mulf %sub3A_27, %tanh3A : vector<400x128xf32>
    %add3A_29 = arith.addf %mul3A, %mul3A_28 : vector<400x128xf32>
    %swap3A = arith.constant 0 : index
    %swap3A_30 = arith.constant 0 : index
    %swap3A_31 = vector.load %arg7[%swap3A, %swap3A_30] : memref<400x128xf32, #tpu.memory_space<vmem>>, vector<400x128xf32>
    tpu.vector_store %arg7[%swap3A, %swap3A_30], %add3A_29 {strides = array<i32>} : memref<400x128xf32, #tpu.memory_space<vmem>>, vector<400x128xf32>,
    return
  }
  func.func @transform_0(%arg0: i32) -> (i32, i32) {
    %c0_i32 = arith.constant 0 : i32
    %c0_i32_0 = arith.constant 0 : i32
    return %arg0, %c0_i32 : i32, i32
  }
  func.func @transform_1(%arg0: i32) -> (i32, i32) {
    %c0_i32 = arith.constant 0 : i32
    %c0_i32_0 = arith.constant 0 : i32
    return %arg0, %c0_i32 : i32, i32
  }
  func.func @transform_2(%arg0: i32) -> (i32, i32) {
    %c0_i32 = arith.constant 0 : i32
    %c0_i32_0 = arith.constant 0 : i32
    return %arg0, %c0_i32 : i32, i32
  }
  func.func @transform_3(%arg0: i32) -> (i32, i32, i32) {
    %c0_i32 = arith.constant 0 : i32
    %c0_i32_0 = arith.constant 0 : i32
    %c0_i32_1 = arith.constant 0 : i32
    return %c0_i32, %arg0, %c0_i32_0 : i32, i32, i32
  }
  func.func @transform_4(%arg0: i32) -> (i32, i32, i32) {
    %c1_i32 = arith.constant 1 : i32
    %c0_i32 = arith.constant 0 : i32
    %c0_i32_0 = arith.constant 0 : i32
    return %c1_i32, %arg0, %c0_i32 : i32, i32, i32
  }
  func.func @transform_5(%arg0: i32) -> (i32, i32) {
    %c0_i32 = arith.constant 0 : i32
    %c0_i32_0 = arith.constant 0 : i32
    %c0_i32_1 = arith.constant 0 : i32
    return %c0_i32, %c0_i32_0 : i32, i32
  }
  func.func @transform_6(%arg0: i32) -> (i32, i32) {
    %c0_i32 = arith.constant 0 : i32
    %c0_i32_0 = arith.constant 0 : i32
    return %arg0, %c0_i32 : i32, i32
  }
}

</mosaic_0001>

<sc_bundles>
// kernel: kernel.6.cloned.1.call-start
scs
__scs_entry_jumppad:
0x0: {  	(pc) =	sbr.rel $0x88, $3  }
0x1: {  	(tag) =	ssettag $0x0;
	lr =	simm.s32 $0x1  }
0x2: {  	[smem:$0x3F8B] =	sst lr;
	_ =	strace $0xD0000000  }
0x3: {  	_ = 	snop  }
0x4: {  	_ = 	snop  }
0x5: {  	_ = 	snop  }
0x6: {  	_ = 	snop  }
0x7: {  	_ = 	snop  }
__scs_overlays_trampoline_lowered:
0x8: {  	[smem:$0x3F9A] =	sst s0  }
0x9: {  	[smem:$0x3F9B] =	sst s1  }
0xa: {  	[smem:$0x3F9C] =	sst s2  }
0xb: {  	[smem:$0x3F9D] =	sst s3  }
0xc: {  	[smem:$0x3F9E] =	sst s4  }
0xd: {  	[smem:$0x3F9F] =	sst s5  }
0xe: {  	[smem:$0x3FA0] =	sst s6  }
0xf: {  	[smem:$0x3FA1] =	sst s7  }
0x10: {  	[smem:$0x3FA2] =	sst s8  }
0x11: {  	[smem:$0x3FA3] =	sst s9;
	s0 =	simm.s32 @!p0 $0x0  }
0x12: {  	s1 =	sld [smem:$0x3F89];
	s0 =	simm.s32 @p0 $0x1  }
0x13: {  	[smem:$0x3FA4] =	sst s0;
	s0 =	simm.s32 @!p1 $0x0  }
0x14: {  	s2 =	sld [smem:$0x3F88];
	s0 =	simm.s32 @p1 $0x1  }
0x15: {  	[smem:$0x3FA5] =	sst s0;
	s0 =	simm.s32 @!p2 $0x0  }
0x16: {  	s3 =	sld [smem:$0x3FDB];
	s0 =	simm.s32 @p2 $0x1  }
0x17: {  	s4 =	simm.s32 $0x1BF5;
	[smem:$0x3FA7] =	sst s0  }
0x18: {  	s0 =	sld [smem:$0x3F8A];
	_ =	swait.ge [sflag:s4], $0x0  }
0x19: {  	s7 =	sld [smem:$0x3F8B]  }
0x1a: {  	s8 =	sadd.s32 $0xFFFFE003, lr  }
0x1b: {  	s9 =	sadd.s32 $0xFFFFFEF7, lr;
	s5 =	simm.s32 $0xFFFFFFFF;
	p2 =	slt.u32 s8, $0xFFFFF086  }
0x1c: {  	p1 =	slt.u32 s9, $0xF7A;
	s5 =	simm.s32 @!p2 $0x0  }
0x1d: {  	s5 =	simm.s32 @p1 $0x1;
	p0 =	seq.s32 s7, s2  }
0x1e: {  	s7 =	smul.u32 @!p0 $0xF7A, s2;
	p2 =	seq.s32 @!p0 s5, $0x0  }
0x1f: {  	s9 =	smul.u32 $0xF7A, s1;
	s8 =	simm.s32 @!p0 $0x1BF5;
	p2 =	por !p2, p0  }
0x20: {  	[sflag:s8] =	ssyncset.s32 @!p0 $0xFFFFF086;
	s6 =	sadd.s32 @!p0 s3, s7;
	s7 =	simm.s32 @!p0 $0x108  }
0x21: {  	s3 =	sadd.s32 s3, s9;
	s6 =	sadd.s32 @!p0 $0x88, s6;
	s7 =	simm.s32 @p2 $0x1082  }
0x22: {  	[simem:s7], [sflag:s8] =	dma.local @!p0 [hbm:s6], $0xF7A  }
0x23: {  	s9 =	sor.u32 $0xD0000000, s2;
	s6 =	simm.s32 $0x108;
	_ =	swait.ge @!p0 [sflag:s8], $0x0  }
0x24: {  	s3 =	sadd.s32 $0x88, s3;
	s6 =	simm.s32 @!p1 $0x1082;
	[sflag:s4] =	ssyncset.s32 $0xFFFFF086  }
0x25: {  	[simem:s6], [sflag:s4] =	dma.local [hbm:s3], $0xF7A  }
0x26: {  	[smem:$0x3F8B] =	sst s1;
	(tag) =	ssettag s2;
	_ =	strace s9  }
0x27: {  	s1 =	sld [smem:$0x3F9B]  }
0x28: {  	s2 =	sld [smem:$0x3F9C]  }
0x29: {  	s4 =	sld [smem:$0x3F9E]  }
0x2a: {  	p0 =	seq.s32 s5, $0x0;
	s5 =	sld [smem:$0x3F9F]  }
0x2b: {  	s6 =	sld [smem:$0x3FA0]  }
0x2c: {  	s7 =	sld [smem:$0x3FA1]  }
0x2d: {  	s3 =	simm.s32 $0x108;
	s8 =	sld [smem:$0x3FA2]  }
0x2e: {  	s3 =	simm.s32 @!p0 $0x1082;
	s9 =	sld [smem:$0x3FA3]  }
0x2f: {  	lr =	sadd.s32 s0, s3;
	s0 =	sld [smem:$0x3F9A]  }
0x30: {  	s3 =	sld [smem:$0x3F9D]  }
0x31: {  	[smem:$0x3FA6] =	sst s10  }
0x32: {  	s10 =	sld [smem:$0x3FA4];
	_ =	sdelay $0x3  }
0x33: {  	p0 =	seq.s32 s10, $0x1;
	s10 =	sld [smem:$0x3FA6];
	_ =	sdelay $0x3  }
0x34: {  	[smem:$0x3FA6] =	sst s10  }
0x35: {  	s10 =	sld [smem:$0x3FA5];
	_ =	sdelay $0x3  }
0x36: {  	p1 =	seq.s32 s10, $0x1;
	s10 =	sld [smem:$0x3FA6];
	_ =	sdelay $0x3  }
0x37: {  	[smem:$0x3FA6] =	sst s10  }
0x38: {  	s10 =	sld [smem:$0x3FA7]  }
0x39: {  	_ = 	snop;
	(pc) =	sbr.ind lr, $3  }
0x3a: {  	_ = 	snop  }
0x3b: {  	_ = 	snop  }
0x3c: {  	p2 =	seq.s32 s10, $0x1;
	s10 =	sld [smem:$0x3FA6]  }
0x3d: {  	_ =	shalt  }
0x3e: {  	_ =	shalt  }
0x3f: {  	_ =	shalt  }
0x40: {  	_ =	shalt  }
0x41: {  	_ =	shalt  }
0x42: {  	_ =	shalt  }
0x43: {  	_ =	shalt  }
0x44: {  	_ =	shalt  }
0x45: {  	_ =	shalt  }
0x46: {  	_ =	shalt  }
0x47: {  	_ =	shalt  }
0x48: {  	_ =	shalt  }
0x49: {  	_ =	shalt  }
0x4a: {  	_ =	shalt  }
0x4b: {  	_ =	shalt  }
0x4c: {  	_ =	shalt  }
0x4d: {  	_ =	shalt  }
0x4e: {  	_ =	shalt  }
0x4f: {  	_ =	shalt  }
0x50: {  	_ =	shalt  }
0x51: {  	_ =	shalt  }
0x52: {  	_ =	shalt  }
0x53: {  	_ =	shalt  }
0x54: {  	_ =	shalt  }
0x55: {  	_ =	shalt  }
0x56: {  	_ =	shalt  }
0x57: {  	_ =	shalt  }
0x58: {  	_ =	shalt  }
0x59: {  	_ =	shalt  }
0x5a: {  	_ =	shalt  }
0x5b: {  	_ =	shalt  }
0x5c: {  	_ =	shalt  }
0x5d: {  	_ =	shalt  }
0x5e: {  	_ =	shalt  }
0x5f: {  	_ =	shalt  }
0x60: {  	_ =	shalt  }
0x61: {  	_ =	shalt  }
0x62: {  	_ =	shalt  }
0x63: {  	_ =	shalt  }
0x64: {  	_ =	shalt  }
0x65: {  	_ =	shalt  }
0x66: {  	_ =	shalt  }
0x67: {  	_ =	shalt  }
0x68: {  	_ =	shalt  }
0x69: {  	_ =	shalt  }
0x6a: {  	_ =	shalt  }
0x6b: {  	_ =	shalt  }
0x6c: {  	_ =	shalt  }
0x6d: {  	_ =	shalt  }
0x6e: {  	_ =	shalt  }
0x6f: {  	_ =	shalt  }
0x70: {  	_ =	shalt  }
0x71: {  	_ =	shalt  }
0x72: {  	_ =	shalt  }
0x73: {  	_ =	shalt  }
0x74: {  	_ =	shalt  }
0x75: {  	_ =	shalt  }
0x76: {  	_ =	shalt  }
0x77: {  	_ =	shalt  }
0x78: {  	_ =	shalt  }
0x79: {  	_ =	shalt  }
0x7a: {  	_ =	shalt  }
0x7b: {  	_ =	shalt  }
0x7c: {  	_ =	shalt  }
0x7d: {  	_ =	shalt  }
0x7e: {  	_ =	shalt  }
0x7f: {  	_ =	shalt  }
0x80: {  	_ =	shalt  }
0x81: {  	_ =	shalt  }
0x82: {  	_ =	shalt  }
0x83: {  	_ =	shalt  }
0x84: {  	_ =	shalt  }
0x85: {  	_ =	shalt  }
0x86: {  	_ =	shalt  }
0x87: {  	_ =	shalt  }
.Lfunc_end0:
.L_simem_size_0:
called_computation_lowered:
.L_overlay_start_0:
0x88: {  	s2 =	sld [smem:$0x3FD9]  }
0x89: {  	s3 =	sld [smem:$0x3FFE];
	_ =	sdelay $0x1  }
0x8a: {  	s1 =	srdreg.scid  }
0x8b: {  	s0 =	sand.u32 $0x1, s1  }
0x8c: {  	s16 =	sshll.u32 s0, $0xA;
	s2 =	sadd.s32 s3, s2  }
0x8d: {  	s2 =	sadd.s32 s2, s16  }
0x8e: {  	[smem:$0x3FB2] =	sst s2  }
0x8f: {  	_ = 	snop  }
0x90: {  	(tm) =	ssettm $0x1  }
0x91: {  	s17 =	sld [smem:$0x3FFB];
	_ =	sdelay $0x3  }
0x92: {  	_ =	strace s17  }
0x93: {  	s2 =	sld [smem:$0x3FFC];
	_ =	sdelay $0x3  }
0x94: {  	_ =	strace s2  }
0x95: {  	s2 =	sld [smem:$0x3FFD];
	_ =	sdelay $0x3  }
0x96: {  	_ =	strace s2  }
0x97: {  	_ =	strace $0x8FFFFFFF  }
0x98: {  	s18 =	sld [smem:$0x3FDB];
	_ =	sdelay $0x1  }
0x99: {  	s19 =	simm.s32 $_scs_section_size  }
0x9a: {  	s4 =	simm.s32 $_size__tile_overlayer_lowered;
	s5 =	simm.s32 $_tile_overlayer_lowered  }
0x9b: {  	s22 =	simm.s32 $0x1BFF;
	s21 =	sshll.u32 s5, $0x1;
	s2 =	sadd.s32 s19, s18  }
0x9c: {  	s6 =	simm.s32 $0x0;
	s20 =	sshll.u32 s4, $0x1;
	s4 =	sadd.s32 s21, s2  }
0x9d: {  	[timem:s6], [sflag:s22] =	dma.local [hbm:s4], s20  }
0x9e: {  	_ =	swait.ge [sflag:s22], s20  }
0x9f: {  	s3 =	ssub.s32 $0x0, s20;
	[sflag:s22] =	ssyncset.done $0x0  }
0xa0: {  	[sflag:s22] =	ssyncadd.s32 s3;
	_ =	sdelay $0x1  }
0xa1: {  	s23 =	simm.s32 $0x1B8B  }
0xa2: {  	_ =	swait.ge [sflag:s23], $0x1  }
0xa3: {  	[sflag:s23] =	ssyncset.done $0x0  }
0xa4: {  	s25 =	simm.s32 $0x1B8E;
	s24 =	sld [smem:$0x3FFE];
	[sflag:s23] =	ssyncadd.s32 $0xFFFFFFFF  }
0xa5: {  	s26 =	simm.s32 $execute0_lowered;
	[smem:$0x3FD2] =	sst s25  }
0xa6: {  	s4 =	sshll.u32 s26, $0x1;
	_ =	strace $0x80000046;
	[dreg:$0x1] =	wrdreg $0xFFFFFFFF  }
0xa7: {  	s28 =	simm.s32 $_size_execute0_lowered;
	s2 =	sadd.s32 s2, s4;
	[dreg:$0x0] =	wrdreg $0x0  }
0xa8: {  	s4 =	sshll.u32 s28, $0x1;
	[dreg:$0x2] =	wrdreg s2  }
0xa9: {  	[dreg:$0x3] =	wrdreg s4  }
0xaa: {  	[dreg:$0x4] =	wrdreg $0xC0  }
0xab: {  	_ =	task [dreg:s6], $0x5FFFF  }
0xac: {  	[dreg:$0x1] =	wrdreg $0xFFFFFFFF  }
0xad: {  	[dreg:$0x0] =	wrdreg $0x60  }
0xae: {  	[dreg:$0x2] =	wrdreg s24  }
0xaf: {  	[dreg:$0x3] =	wrdreg $0x0  }
0xb0: {  	[dreg:$0x4] =	wrdreg $0x9  }
0xb1: {  	_ =	task.clear_ibuf [dreg:s6], $0x5FFFF;
	_ =	strace $0x90000046  }
0xb2: {  	s29 =	simm.s32 $0x9;
	_ =	strace $0x80000048  }
0xb3: {  	_ =	swait.ge [sflag:s29], $0x1  }
0xb4: {  	[sflag:s29] =	ssyncadd.s32 $0xFFFFFFFF  }
0xb5: {  	_ =	strace $0x90000048  }
0xb6: {  	_ =	sfence  }
0xb7: {  	s30 =	sld [smem:$0x0];
	_ =	sdelay $0x2  }
0xb8: {  	s31 =	sshll.u32 s1, $0xD;
	s1 =	sshrl.u32 s1, $0x2  }
0xb9: {  	s3 =	sand.u32 $0x4000, s31;
	s1 =	sadd.s32 s1, s30  }
0xba: {  	s0 =	sor.u32 s3, s0;
	s1 =	sshll.u32 s1, $0x11  }
0xbb: {  	s0 =	sor.u32 s1, s0  }
0xbc: {  	s0 =	sadd.s32 $0x8F2B, s0  }
0xbd: {  	[sflag:s0] =	ssyncadd.remote.s32 $0x1  }
0xbe: {  	_ =	sfence.sel $0xFFFF  }
0xbf: {  	[dreg:$0x0] =	wrdreg $0xFFFFFFFF;
	(pc) =	sbr.abs _section_cstart, $3  }
0xc0: {  	[dreg:$0x1] =	wrdreg $0xFFFFFFFF  }
0xc1: {  	_ =	task.clear_ibuf [dreg:s6], $0x2FFFF;
	_ =	strace $0x9FFFFFFF  }
0xc2: {  	(tm) =	ssettm $0x7FFFFFFF  }
0xc3: {  	_ =	shalt  }
tec
execute0_lowered:
.L_overlay_start_1:
0x0: {  	(tag) =	ssettag $0x1  }
0x1: {  	s0 =	rddreg [dreg:$0x0]  }
0x2: {  	s2 =	rddreg [dreg:$0x1]  }
0x3: {  	s14 =	stileid.u32;
	s3 =	simm.s32 $0x0;
	s1 =	srdreg.scid  }
0x4: {  	s28 =	simm.s32 $0x13E00;
	s29 =	simm.s32 $0x1;
	s4 =	smul.u32 $0x50, s14  }
0x5: {  	s30 =	simm.s32 $0x13D00;
	s31 =	simm.s32 $0x3;
	s7 =	smul.u32 $0x13C00, s14  }
0x6: {  	[smem:$0x7FF] =	sst s3;
	s1 =	sand.u32 $0x1, s1;
	s11 =	smul.u32 $0x4F000, s14  }
0x7: {  	s13 =	smul.u32 $0xA000, s14;
	s14 =	sshll.u32 s14, $0x6;
	_ =	strace $0x80000047  }
0x8: {  	s10 =	smul.u32 $0x13C000, s1;
	s26 =	ssub.s32 $0x2, s1;
	s19 =	sor.u32 $0x1C05, s14  }
0x9: {  	s14 =	simm.s32 $0x0;
	s6 =	sor.u32 s1, s4;
	s4 =	sadd.s32 $0x4E8600, s0  }
0xa: {  	s9 =	sshrl.u32 s7, $0x3;
	s1 =	smul.u32 $0xA0400, s1;
	s12 =	sshrl.u32 s26, $0x1  }
0xb: {  	s5 =	sshll.u32 s6, $0xC;
	s9 =	sadd.s32 s9, s0;
	s7 =	sadd.s32 s7, s10  }
0xc: {  	s10 =	ssub.s32 s26, s12;
	s12 =	sshrl.u32 s11, $0x2;
	s6 =	sshll.u32 s6, $0x6  }
0xd: {  	s8 =	sadd.s32 s5, s0;
	s5 =	sadd.s32 $0x6600, s0;
	s7 =	sshrl.u32 s7, $0x3  }
0xe: {  	s12 =	sadd.s32 s12, s2;
	s1 =	sadd.s32 s13, s1;
	s17 =	sadd.s32 $0x2E800, s9  }
0xf: {  	s24 =	smax.u32 s10, $0x1;
	s9 =	simm.s32 $0x13E80;
	s13 =	simm.s32 $0x13F80  }
0x10: {  	s0 =	sadd.s32 s7, s0;
	s15 =	sshrl.u32 s1, $0x3;
	s20 =	sadd.s32 s5, s6  }
0x11: {  	s11 =	sadd.s32 $0x536800, s8;
	s21 =	sor.u32 $0x200, s1;
	[dreg:$0x9] =	wrdreg s24  }
0x12: {  	s22 =	sadd.s32 $0x537000, s8;
	s1 =	sadd.s32 $0x400, s1;
	[dreg:$0x3] =	wrdreg s17  }
0x13: {  	s24 =	simm.s32 $0x14000;
	s16 =	sadd.s32 s5, s15;
	[dreg:$0x7] =	wrdreg s22  }
0x14: {  	s18 =	sadd.s32 $0x56000, s0;
	s0 =	sadd.s32 $0xA5000, s0;
	[dreg:$0xa] =	wrdreg s1  }
0x15: {  	s23 =	sshrl.u32 s21, $0x3;
	s25 =	sadd.s32 $0x80, s20;
	[dreg:$0x6] =	wrdreg s20  }
0x16: {  	s26 =	sadd.s32 $0x100, s20;
	s20 =	sshrl.u32 s12, $0x3;
	[dreg:$0x4] =	wrdreg s16  }
0x17: {  	s21 =	simm.s32 $0x5;
	s22 =	simm.s32 $0x13C00;
	[dreg:$0x5] =	wrdreg s18  }
0x18: {  	s1 =	simm.s32 $0x13D80;
	s12 =	simm.s32 $0x13F00;
	[dreg:$0x8] =	wrdreg s0  }
0x19: {  	s16 =	sadd.s32 s23, s5;
	[dreg:$0xb] =	wrdreg s25;
	s18 =	sadd.s32 $0x538800, s8  }
0x1a: {  	[dreg:$0xc] =	wrdreg s26;
	s23 =	simm.s32 $0x80;
	s25 =	simm.s32 $0x13C80  }
0x1b: {  	s26 =	simm.s32 $0x18000;
	s0 =	simm.s32 $0x2;
	s8 =	simm.s32 $0x4  }
.LBB2_1:
0x1c: {  	[spmem:s20], [sflag:s19] =	dma.local [hbm:s17], $0x2780  }
0x1d: {  	_ =	swait.ge [sflag:s21], $0x2780  }
0x1e: {  	[sflag:s21] =	ssyncset.done $0x0  }
0x1f: {  	[sflag:s21] =	ssyncadd.s32 $0xFFFFD880  }
0x20: {  	[bflag:$0x0] =	sbarrier.arrive $0xFFFF  }
0x21: {  	s6 =	rddreg [dreg:$0x4]  }
0x22: {  	[tilespmem:s22], [sflag:$0x5] =	stream.linear.gather [hbm4b:s6+s3], $0x200, $0x38;
	[tilespmem:$0x1C000] =	vst v63  }
0x23: {  	_ =	swait.ge [sflag:s21], $0x200  }
0x24: {  	[sflag:s21] =	ssyncset.done $0x0  }
0x25: {  	[sflag:s21] =	ssyncadd.s32 $0xFFFFFE00  }
0x26: {  	[tilespmem:s24], [sflag:$0x1] =	stream.indirect.gather [hbm4b:s4+s23], $0x80, s22, s23, $0xb8;
	[tilespmem:$0x1C000] =	vst v63  }
0x27: {  	_ = 	snop  }
0x28: {  	[tilespmem:s26], [sflag:$0x2] =	stream.indirect.gather [hbm4b:s4+s23], $0x80, s25, s23, $0xb8;
	[tilespmem:$0x1C000] =	vst v63  }
0x29: {  	s10 =	sadd.s32 $0x0, s16  }
0x2a: {  	[tilespmem:s28], [sflag:$0x5] =	stream.linear.gather [hbm4b:s10+s3], $0x200, $0x38;
	[tilespmem:$0x1C000] =	vst v63  }
0x2b: {  	_ =	swait.ge [sflag:s21], $0x200  }
0x2c: {  	[sflag:s21] =	ssyncset.done $0x0  }
0x2d: {  	[sflag:s21] =	ssyncadd.s32 $0xFFFFFE00  }
0x2e: {  	_ =	swait.ge [sflag:s29], $0x4000  }
0x2f: {  	[sflag:s29] =	ssyncset.done $0x0  }
0x30: {  	[sflag:s29] =	ssyncadd.s32 $0xFFFFC000  }
0x31: {  	[spmem:s2] =	stream.indirect.scatter.add.f32 [tilespmem:s24], [sflag:$0x3], $0x80, s30, s23, $0xb8;
	[tilespmem:$0x1C000] =	vst v63  }
0x32: {  	_ =	swait.ge [sflag:s31], $0x4000  }
0x33: {  	[sflag:s31] =	ssyncset.done $0x0  }
0x34: {  	[sflag:s31] =	ssyncadd.s32 $0xFFFFC000  }
0x35: {  	[tilespmem:s24], [sflag:$0x1] =	stream.indirect.gather [hbm4b:s4+s23], $0x80, s28, s23, $0xb8;
	[tilespmem:$0x1C000] =	vst v63  }
0x36: {  	_ =	swait.ge [sflag:s0], $0x4000  }
0x37: {  	[sflag:s0] =	ssyncset.done $0x0  }
0x38: {  	[sflag:s0] =	ssyncadd.s32 $0xFFFFC000  }
0x39: {  	[spmem:s2] =	stream.indirect.scatter.add.f32 [tilespmem:s26], [sflag:$0x4], $0x80, s1, s23, $0xb8;
	[tilespmem:$0x1C000] =	vst v63  }
0x3a: {  	_ =	swait.ge [sflag:s8], $0x4000  }
0x3b: {  	[sflag:s8] =	ssyncset.done $0x0;
	s7 =	rddreg [dreg:$0xa]  }
0x3c: {  	[sflag:s8] =	ssyncadd.s32 $0xFFFFC000;
	s15 =	sshrl.u32 s7, $0x3  }
0x3d: {  	[tilespmem:s26], [sflag:$0x2] =	stream.indirect.gather [hbm4b:s4+s23], $0x80, s9, s23, $0xb8;
	[tilespmem:$0x1C000] =	vst v63  }
0x3e: {  	s6 =	sadd.s32 s5, s15  }
0x3f: {  	[tilespmem:s22], [sflag:$0x5] =	stream.linear.gather [hbm4b:s6+s3], $0x200, $0x38;
	[tilespmem:$0x1C000] =	vst v63  }
0x40: {  	_ =	swait.ge [sflag:s21], $0x200  }
0x41: {  	[sflag:s21] =	ssyncset.done $0x0  }
0x42: {  	[sflag:s21] =	ssyncadd.s32 $0xFFFFFE00  }
0x43: {  	_ =	swait.ge [sflag:s29], $0x4000  }
0x44: {  	[sflag:s29] =	ssyncset.done $0x0  }
0x45: {  	[sflag:s29] =	ssyncadd.s32 $0xFFFFC000  }
0x46: {  	[spmem:s2] =	stream.indirect.scatter.add.f32 [tilespmem:s24], [sflag:$0x3], $0x80, s12, s23, $0xb8;
	[tilespmem:$0x1C000] =	vst v63  }
0x47: {  	_ =	swait.ge [sflag:s31], $0x4000  }
0x48: {  	[sflag:s31] =	ssyncset.done $0x0  }
0x49: {  	[sflag:s31] =	ssyncadd.s32 $0xFFFFC000  }
0x4a: {  	[tilespmem:s24], [sflag:$0x1] =	stream.indirect.gather [hbm4b:s4+s23], $0x80, s22, s23, $0xb8;
	[tilespmem:$0x1C000] =	vst v63  }
0x4b: {  	_ =	swait.ge [sflag:s0], $0x4000  }
0x4c: {  	[sflag:s0] =	ssyncset.done $0x0  }
0x4d: {  	[sflag:s0] =	ssyncadd.s32 $0xFFFFC000  }
0x4e: {  	[spmem:s2] =	stream.indirect.scatter.add.f32 [tilespmem:s26], [sflag:$0x4], $0x80, s13, s23, $0xb8;
	[tilespmem:$0x1C000] =	vst v63  }
0x4f: {  	_ =	swait.ge [sflag:s8], $0x4000  }
0x50: {  	[sflag:s8] =	ssyncset.done $0x0  }
0x51: {  	s10 =	sadd.s32 $0x400, s7;
	s6 =	simm.s32 $0x80;
	[sflag:s8] =	ssyncadd.s32 $0xFFFFC000  }
.LBB2_2:
0x52: {  	[tilespmem:s26], [sflag:$0x2] =	stream.indirect.gather [hbm4b:s4+s23], $0x80, s25, s23, $0xb8;
	[tilespmem:$0x1C000] =	vst v63  }
0x53: {  	s15 =	sadd.s32 s6, s16;
	p0 =	sne.s32 s6, $0x1380;
	s6 =	sadd.s32 $0x80, s6  }
0x54: {  	[tilespmem:s28], [sflag:$0x5] =	stream.linear.gather [hbm4b:s15+s3], $0x200, $0x38;
	[tilespmem:$0x1C000] =	vst v63  }
0x55: {  	_ =	swait.ge [sflag:s21], $0x200  }
0x56: {  	[sflag:s21] =	ssyncset.done $0x0  }
0x57: {  	[sflag:s21] =	ssyncadd.s32 $0xFFFFFE00  }
0x58: {  	_ =	swait.ge [sflag:s29], $0x4000  }
0x59: {  	[sflag:s29] =	ssyncset.done $0x0  }
0x5a: {  	[sflag:s29] =	ssyncadd.s32 $0xFFFFC000  }
0x5b: {  	[spmem:s2] =	stream.indirect.scatter.add.f32 [tilespmem:s24], [sflag:$0x3], $0x80, s30, s23, $0xb8;
	[tilespmem:$0x1C000] =	vst v63  }
0x5c: {  	_ =	swait.ge [sflag:s31], $0x4000  }
0x5d: {  	[sflag:s31] =	ssyncset.done $0x0  }
0x5e: {  	[sflag:s31] =	ssyncadd.s32 $0xFFFFC000  }
0x5f: {  	[tilespmem:s24], [sflag:$0x1] =	stream.indirect.gather [hbm4b:s4+s23], $0x80, s28, s23, $0xb8;
	[tilespmem:$0x1C000] =	vst v63  }
0x60: {  	_ =	swait.ge [sflag:s0], $0x4000  }
0x61: {  	[sflag:s0] =	ssyncset.done $0x0  }
0x62: {  	[sflag:s0] =	ssyncadd.s32 $0xFFFFC000  }
0x63: {  	[spmem:s2] =	stream.indirect.scatter.add.f32 [tilespmem:s26], [sflag:$0x4], $0x80, s1, s23, $0xb8;
	[tilespmem:$0x1C000] =	vst v63  }
0x64: {  	_ =	swait.ge [sflag:s8], $0x4000  }
0x65: {  	[sflag:s8] =	ssyncset.done $0x0  }
0x66: {  	s15 =	sshrl.u32 s10, $0x3;
	[sflag:s8] =	ssyncadd.s32 $0xFFFFC000  }
0x67: {  	[tilespmem:s26], [sflag:$0x2] =	stream.indirect.gather [hbm4b:s4+s23], $0x80, s9, s23, $0xb8;
	[tilespmem:$0x1C000] =	vst v63  }
0x68: {  	s15 =	sadd.s32 s5, s15  }
0x69: {  	[tilespmem:s22], [sflag:$0x5] =	stream.linear.gather [hbm4b:s15+s3], $0x200, $0x38;
	[tilespmem:$0x1C000] =	vst v63  }
0x6a: {  	_ =	swait.ge [sflag:s21], $0x200  }
0x6b: {  	[sflag:s21] =	ssyncset.done $0x0  }
0x6c: {  	[sflag:s21] =	ssyncadd.s32 $0xFFFFFE00  }
0x6d: {  	_ =	swait.ge [sflag:s29], $0x4000  }
0x6e: {  	[sflag:s29] =	ssyncset.done $0x0  }
0x6f: {  	[sflag:s29] =	ssyncadd.s32 $0xFFFFC000  }
0x70: {  	[spmem:s2] =	stream.indirect.scatter.add.f32 [tilespmem:s24], [sflag:$0x3], $0x80, s12, s23, $0xb8;
	[tilespmem:$0x1C000] =	vst v63  }
0x71: {  	_ =	swait.ge [sflag:s31], $0x4000  }
0x72: {  	[sflag:s31] =	ssyncset.done $0x0  }
0x73: {  	[sflag:s31] =	ssyncadd.s32 $0xFFFFC000  }
0x74: {  	[tilespmem:s24], [sflag:$0x1] =	stream.indirect.gather [hbm4b:s4+s23], $0x80, s22, s23, $0xb8;
	[tilespmem:$0x1C000] =	vst v63  }
0x75: {  	_ =	swait.ge [sflag:s0], $0x4000  }
0x76: {  	[sflag:s0] =	ssyncset.done $0x0  }
.Ltmp0:
0x77: {  	[sflag:s0] =	ssyncadd.s32 $0xFFFFC000;
	(pc) =	sbr.rel @p0 .LBB2_2-.Ltmp0, $4  }
0x78: {  	[spmem:s2] =	stream.indirect.scatter.add.f32 [tilespmem:s26], [sflag:$0x4], $0x80, s13, s23, $0xb8;
	[tilespmem:$0x1C000] =	vst v63  }
0x79: {  	_ =	swait.ge [sflag:s8], $0x4000  }
0x7a: {  	[sflag:s8] =	ssyncset.done $0x0  }
0x7b: {  	s10 =	sadd.s32 $0x400, s10;
	[sflag:s8] =	ssyncadd.s32 $0xFFFFC000  }
0x7c: {  	[tilespmem:s26], [sflag:$0x2] =	stream.indirect.gather [hbm4b:s4+s23], $0x80, s25, s23, $0xb8;
	[tilespmem:$0x1C000] =	vst v63  }
0x7d: {  	_ =	swait.ge [sflag:s29], $0x4000  }
0x7e: {  	[sflag:s29] =	ssyncset.done $0x0  }
0x7f: {  	[sflag:s29] =	ssyncadd.s32 $0xFFFFC000  }
0x80: {  	_ =	swait.ge [sflag:s0], $0x4000  }
0x81: {  	[sflag:s0] =	ssyncset.done $0x0  }
0x82: {  	[sflag:s0] =	ssyncadd.s32 $0xFFFFC000  }
0x83: {  	[bflag:$0x0] =	sbarrier.arrive $0xFFFF  }
0x84: {  	s6 =	rddreg [dreg:$0x5]  }
0x85: {  	[hbm:s6], [sflag:s19] =	dma.local [spmem:s20], $0x2780  }
0x86: {  	_ =	swait.ge [sflag:s21], $0x2780  }
0x87: {  	[sflag:s21] =	ssyncset.done $0x0  }
0x88: {  	[sflag:s21] =	ssyncadd.s32 $0xFFFFD880  }
0x89: {  	[spmem:s20], [sflag:s19] =	dma.local [hbm:s17], $0x2780  }
0x8a: {  	_ =	swait.ge [sflag:s21], $0x2780  }
0x8b: {  	[sflag:s21] =	ssyncset.done $0x0  }
0x8c: {  	[sflag:s21] =	ssyncadd.s32 $0xFFFFD880  }
0x8d: {  	[bflag:$0x0] =	sbarrier.arrive $0xFFFF  }
0x8e: {  	s7 =	smov.u32 s19;
	s19 =	simm.s32 $0x0;
	s10 =	rddreg [dreg:$0x6]  }
0x8f: {  	[tilespmem:s22], [sflag:$0x5] =	stream.linear.gather [hbm4b:s10+s19], $0x200, $0x38;
	[tilespmem:$0x1C000] =	vst v63  }
0x90: {  	_ =	swait.ge [sflag:s21], $0x200  }
0x91: {  	[sflag:s21] =	ssyncset.done $0x0  }
0x92: {  	[sflag:s21] =	ssyncadd.s32 $0xFFFFFE00  }
0x93: {  	[tilespmem:s24], [sflag:$0x1] =	stream.linear.gather [hbm4b:s11+s19], $0x4000, $0x38;
	[tilespmem:$0x1C000] =	vst v63  }
0x94: {  	s15 =	rddreg [dreg:$0x7]  }
0x95: {  	[tilespmem:s26], [sflag:$0x2] =	stream.linear.gather [hbm4b:s15+s19], $0x4000, $0x38;
	[tilespmem:$0x1C000] =	vst v63  }
0x96: {  	s19 =	rddreg [dreg:$0xb]  }
0x97: {  	[tilespmem:s28], [sflag:$0x5] =	stream.linear.gather [hbm4b:s19+s3], $0x200, $0x38;
	[tilespmem:$0x1C000] =	vst v63  }
0x98: {  	_ =	swait.ge [sflag:s21], $0x200  }
0x99: {  	[sflag:s21] =	ssyncset.done $0x0  }
0x9a: {  	[sflag:s21] =	ssyncadd.s32 $0xFFFFFE00  }
0x9b: {  	_ =	swait.ge [sflag:s29], $0x4000  }
0x9c: {  	[sflag:s29] =	ssyncset.done $0x0  }
0x9d: {  	[sflag:s29] =	ssyncadd.s32 $0xFFFFC000  }
0x9e: {  	[spmem:s2] =	stream.indirect.scatter.add.f32 [tilespmem:s24], [sflag:$0x3], $0x80, s30, s23, $0xb8;
	[tilespmem:$0x1C000] =	vst v63  }
0x9f: {  	_ =	swait.ge [sflag:s31], $0x4000  }
0xa0: {  	[sflag:s31] =	ssyncset.done $0x0  }
0xa1: {  	s17 =	sadd.s32 $0x0, s18;
	[sflag:s31] =	ssyncadd.s32 $0xFFFFC000  }
0xa2: {  	[tilespmem:s24], [sflag:$0x1] =	stream.linear.gather [hbm4b:s17+s3], $0x4000, $0x38;
	[tilespmem:$0x1C000] =	vst v63  }
0xa3: {  	_ =	swait.ge [sflag:s0], $0x4000  }
0xa4: {  	[sflag:s0] =	ssyncset.done $0x0  }
0xa5: {  	[sflag:s0] =	ssyncadd.s32 $0xFFFFC000  }
0xa6: {  	[spmem:s2] =	stream.indirect.scatter.add.f32 [tilespmem:s26], [sflag:$0x4], $0x80, s1, s23, $0xb8;
	[tilespmem:$0x1C000] =	vst v63  }
0xa7: {  	_ =	swait.ge [sflag:s8], $0x4000  }
0xa8: {  	[sflag:s8] =	ssyncset.done $0x0  }
0xa9: {  	s6 =	sadd.s32 $0x800, s17;
	[sflag:s8] =	ssyncadd.s32 $0xFFFFC000  }
0xaa: {  	[tilespmem:s26], [sflag:$0x2] =	stream.linear.gather [hbm4b:s6+s3], $0x4000, $0x38;
	[tilespmem:$0x1C000] =	vst v63  }
0xab: {  	s17 =	rddreg [dreg:$0xc]  }
0xac: {  	[tilespmem:s22], [sflag:$0x5] =	stream.linear.gather [hbm4b:s17+s3], $0x200, $0x38;
	[tilespmem:$0x1C000] =	vst v63  }
0xad: {  	_ =	swait.ge [sflag:s21], $0x200  }
0xae: {  	[sflag:s21] =	ssyncset.done $0x0  }
0xaf: {  	[sflag:s21] =	ssyncadd.s32 $0xFFFFFE00  }
0xb0: {  	_ =	swait.ge [sflag:s29], $0x4000  }
0xb1: {  	[sflag:s29] =	ssyncset.done $0x0  }
0xb2: {  	[sflag:s29] =	ssyncadd.s32 $0xFFFFC000  }
0xb3: {  	[spmem:s2] =	stream.indirect.scatter.add.f32 [tilespmem:s24], [sflag:$0x3], $0x80, s12, s23, $0xb8;
	[tilespmem:$0x1C000] =	vst v63  }
0xb4: {  	_ =	swait.ge [sflag:s31], $0x4000  }
0xb5: {  	s15 =	sadd.s32 $0x0, s11;
	[sflag:s31] =	ssyncset.done $0x0  }
0xb6: {  	s10 =	sadd.s32 $0x4000, s15;
	[sflag:s31] =	ssyncadd.s32 $0xFFFFC000  }
0xb7: {  	[tilespmem:s24], [sflag:$0x1] =	stream.linear.gather [hbm4b:s10+s3], $0x4000, $0x38;
	[tilespmem:$0x1C000] =	vst v63  }
0xb8: {  	_ =	swait.ge [sflag:s0], $0x4000  }
0xb9: {  	[sflag:s0] =	ssyncset.done $0x0  }
0xba: {  	[sflag:s0] =	ssyncadd.s32 $0xFFFFC000  }
0xbb: {  	[spmem:s2] =	stream.indirect.scatter.add.f32 [tilespmem:s26], [sflag:$0x4], $0x80, s13, s23, $0xb8;
	[tilespmem:$0x1C000] =	vst v63  }
0xbc: {  	_ =	swait.ge [sflag:s8], $0x4000  }
0xbd: {  	s6 =	sadd.s32 $0x100, s17;
	s17 =	sadd.s32 $0x4800, s15;
	[sflag:s8] =	ssyncset.done $0x0  }
0xbe: {  	s15 =	sadd.s32 $0x100, s19;
	s10 =	simm.s32 $0x4000;
	[sflag:s8] =	ssyncadd.s32 $0xFFFFC000  }
.LBB2_4:
0xbf: {  	[tilespmem:s26], [sflag:$0x2] =	stream.linear.gather [hbm4b:s17+s3], $0x4000, $0x38;
	[tilespmem:$0x1C000] =	vst v63  }
0xc0: {  	p0 =	sne.s32 s10, $0x4C000;
	s17 =	smov.u32 s10;
	s10 =	sadd.s32 $0x4000, s10  }
0xc1: {  	[tilespmem:s28], [sflag:$0x5] =	stream.linear.gather [hbm4b:s15+s3], $0x200, $0x38;
	[tilespmem:$0x1C000] =	vst v63  }
0xc2: {  	_ =	swait.ge [sflag:s21], $0x200  }
0xc3: {  	[sflag:s21] =	ssyncset.done $0x0  }
0xc4: {  	[sflag:s21] =	ssyncadd.s32 $0xFFFFFE00  }
0xc5: {  	_ =	swait.ge [sflag:s29], $0x4000  }
0xc6: {  	[sflag:s29] =	ssyncset.done $0x0  }
0xc7: {  	[sflag:s29] =	ssyncadd.s32 $0xFFFFC000  }
0xc8: {  	[spmem:s2] =	stream.indirect.scatter.add.f32 [tilespmem:s24], [sflag:$0x3], $0x80, s30, s23, $0xb8;
	[tilespmem:$0x1C000] =	vst v63  }
0xc9: {  	_ =	swait.ge [sflag:s31], $0x4000  }
0xca: {  	[sflag:s31] =	ssyncset.done $0x0  }
0xcb: {  	s19 =	sadd.s32 s17, s18;
	[sflag:s31] =	ssyncadd.s32 $0xFFFFC000  }
0xcc: {  	[tilespmem:s24], [sflag:$0x1] =	stream.linear.gather [hbm4b:s19+s3], $0x4000, $0x38;
	[tilespmem:$0x1C000] =	vst v63  }
0xcd: {  	_ =	swait.ge [sflag:s0], $0x4000  }
0xce: {  	[sflag:s0] =	ssyncset.done $0x0  }
0xcf: {  	[sflag:s0] =	ssyncadd.s32 $0xFFFFC000  }
0xd0: {  	[spmem:s2] =	stream.indirect.scatter.add.f32 [tilespmem:s26], [sflag:$0x4], $0x80, s1, s23, $0xb8;
	[tilespmem:$0x1C000] =	vst v63  }
0xd1: {  	_ =	swait.ge [sflag:s8], $0x4000  }
0xd2: {  	[sflag:s8] =	ssyncset.done $0x0  }
0xd3: {  	s19 =	sadd.s32 $0x800, s19;
	[sflag:s8] =	ssyncadd.s32 $0xFFFFC000  }
0xd4: {  	[tilespmem:s26], [sflag:$0x2] =	stream.linear.gather [hbm4b:s19+s3], $0x4000, $0x38;
	[tilespmem:$0x1C000] =	vst v63  }
0xd5: {  	_ = 	snop  }
0xd6: {  	[tilespmem:s22], [sflag:$0x5] =	stream.linear.gather [hbm4b:s6+s3], $0x200, $0x38;
	[tilespmem:$0x1C000] =	vst v63  }
0xd7: {  	_ =	swait.ge [sflag:s21], $0x200  }
0xd8: {  	[sflag:s21] =	ssyncset.done $0x0  }
0xd9: {  	[sflag:s21] =	ssyncadd.s32 $0xFFFFFE00  }
0xda: {  	_ =	swait.ge [sflag:s29], $0x4000  }
0xdb: {  	[sflag:s29] =	ssyncset.done $0x0  }
0xdc: {  	[sflag:s29] =	ssyncadd.s32 $0xFFFFC000  }
0xdd: {  	[spmem:s2] =	stream.indirect.scatter.add.f32 [tilespmem:s24], [sflag:$0x3], $0x80, s12, s23, $0xb8;
	[tilespmem:$0x1C000] =	vst v63  }
0xde: {  	_ =	swait.ge [sflag:s31], $0x4000  }
0xdf: {  	s17 =	sadd.s32 s17, s11;
	[sflag:s31] =	ssyncset.done $0x0  }
0xe0: {  	s19 =	sadd.s32 $0x4000, s17;
	[sflag:s31] =	ssyncadd.s32 $0xFFFFC000  }
0xe1: {  	[tilespmem:s24], [sflag:$0x1] =	stream.linear.gather [hbm4b:s19+s3], $0x4000, $0x38;
	[tilespmem:$0x1C000] =	vst v63  }
0xe2: {  	_ =	swait.ge [sflag:s0], $0x4000  }
0xe3: {  	[sflag:s0] =	ssyncset.done $0x0  }
.Ltmp1:
0xe4: {  	[sflag:s0] =	ssyncadd.s32 $0xFFFFC000;
	(pc) =	sbr.rel @p0 .LBB2_4-.Ltmp1, $4  }
0xe5: {  	[spmem:s2] =	stream.indirect.scatter.add.f32 [tilespmem:s26], [sflag:$0x4], $0x80, s13, s23, $0xb8;
	[tilespmem:$0x1C000] =	vst v63  }
0xe6: {  	_ =	swait.ge [sflag:s8], $0x4000  }
0xe7: {  	s6 =	sadd.s32 $0x100, s6;
	[sflag:s8] =	ssyncset.done $0x0  }
0xe8: {  	s15 =	sadd.s32 $0x100, s15;
	s17 =	sadd.s32 $0x4800, s17;
	[sflag:s8] =	ssyncadd.s32 $0xFFFFC000  }
0xe9: {  	[tilespmem:s26], [sflag:$0x2] =	stream.linear.gather [hbm4b:s17+s3], $0x4000, $0x38;
	[tilespmem:$0x1C000] =	vst v63  }
0xea: {  	_ =	swait.ge [sflag:s29], $0x4000  }
0xeb: {  	[sflag:s29] =	ssyncset.done $0x0  }
0xec: {  	[sflag:s29] =	ssyncadd.s32 $0xFFFFC000  }
0xed: {  	_ =	swait.ge [sflag:s0], $0x4000  }
0xee: {  	[sflag:s0] =	ssyncset.done $0x0  }
0xef: {  	[sflag:s0] =	ssyncadd.s32 $0xFFFFC000  }
0xf0: {  	[bflag:$0x0] =	sbarrier.arrive $0xFFFF  }
0xf1: {  	s6 =	rddreg [dreg:$0x8]  }
0xf2: {  	[hbm:s6], [sflag:s7] =	dma.local [spmem:s20], $0x2780  }
0xf3: {  	_ =	swait.ge [sflag:s21], $0x2780  }
0xf4: {  	s14 =	sadd.s32 $0x1, s14;
	s17 =	rddreg [dreg:$0x9]  }
0xf5: {  	p0 =	sne.s32 s14, s17  }
.Ltmp2:
0xf6: {  	_ = 	snop;
	(pc) =	sbr.rel @p0 .LBB2_1-.Ltmp2, $3  }
0xf7: {  	_ =	sdelay $0x1  }
0xf8: {  	[sflag:s21] =	ssyncset.done $0x0  }
0xf9: {  	s19 =	smov.u32 s7;
	[sflag:s21] =	ssyncadd.s32 $0xFFFFD880;
	s17 =	rddreg [dreg:$0x3]  }
0xfa: {  	_ =	sfence.sel $0x180000  }
0xfb: {  	[bflag:$0x0] =	sbarrier.arrive $0xFFFF  }
0xfc: {  	_ =	strace $0x90000047  }
0xfd: {  	s0 =	stileid.u32;
	[bflag:$0x2] =	sbarrier.arrive $0xFFFF  }
0xfe: {  	p0 =	sne.s32 s0, $0x0;
	s0 =	rddreg [dreg:$0x2]  }
0xff: {  	s0 =	sadd.s32 @!p0 $0x100000, s0  }
0x100: {  	[sflag:s0] =	ssyncadd.tile.s32 @!p0 $0x1;
	_ =	shalt  }
.Lfunc_end2:
_tile_overlayer_lowered:
.L_overlay_start_2:
0x101: {  	(tag) =	ssettag $0x2  }
0x102: {  	s0 =	rddreg [dreg:$0x0];
	s2 =	stileid.u32  }
0x103: {  	s1 =	rddreg [dreg:$0x1];
	p0 =	sne.s32 s2, $0x0  }
0x104: {  	s3 =	rddreg [dreg:$0x2];
	[bflag:$0x3] =	sbarrier.arrive $0xFFFF;
	s2 =	simm.s32 @!p0 $0x1C05  }
0x105: {  	[timem:s3], [sflag:s2] =	dma.local @!p0 [hbm:s0], s1  }
0x106: {  	s0 =	simm.s32 @!p0 $0x5  }
0x107: {  	_ =	swait.ge @!p0 [sflag:s0], s1  }
0x108: {  	s1 =	ssub.s32 @!p0 $0x0, s1;
	[sflag:s0] =	ssyncset.done @!p0 $0x0  }
0x109: {  	[sflag:s0] =	ssyncadd.s32 @!p0 s1  }
0x10a: {  	[bflag:$0x3] =	sbarrier.arrive $0xFFFF  }
0x10b: {  	_ =	shalt  }

// kernel: kernel.9.cloned.1.call-start
scs
__scs_entry_jumppad:
0x0: {  	(pc) =	sbr.rel $0x88, $3  }
0x1: {  	(tag) =	ssettag $0x0;
	lr =	simm.s32 $0x1  }
0x2: {  	[smem:$0x3F8B] =	sst lr;
	_ =	strace $0xD0000000  }
0x3: {  	_ = 	snop  }
0x4: {  	_ = 	snop  }
0x5: {  	_ = 	snop  }
0x6: {  	_ = 	snop  }
0x7: {  	_ = 	snop  }
__scs_overlays_trampoline_lowered:
0x8: {  	[smem:$0x3F9A] =	sst s0  }
0x9: {  	[smem:$0x3F9B] =	sst s1  }
0xa: {  	[smem:$0x3F9C] =	sst s2  }
0xb: {  	[smem:$0x3F9D] =	sst s3  }
0xc: {  	[smem:$0x3F9E] =	sst s4  }
0xd: {  	[smem:$0x3F9F] =	sst s5  }
0xe: {  	[smem:$0x3FA0] =	sst s6  }
0xf: {  	[smem:$0x3FA1] =	sst s7  }
0x10: {  	[smem:$0x3FA2] =	sst s8  }
0x11: {  	[smem:$0x3FA3] =	sst s9;
	s0 =	simm.s32 @!p0 $0x0  }
0x12: {  	s1 =	sld [smem:$0x3F89];
	s0 =	simm.s32 @p0 $0x1  }
0x13: {  	[smem:$0x3FA4] =	sst s0;
	s0 =	simm.s32 @!p1 $0x0  }
0x14: {  	s2 =	sld [smem:$0x3F88];
	s0 =	simm.s32 @p1 $0x1  }
0x15: {  	[smem:$0x3FA5] =	sst s0;
	s0 =	simm.s32 @!p2 $0x0  }
0x16: {  	s3 =	sld [smem:$0x3FDB];
	s0 =	simm.s32 @p2 $0x1  }
0x17: {  	s4 =	simm.s32 $0x1BF5;
	[smem:$0x3FA7] =	sst s0  }
0x18: {  	s0 =	sld [smem:$0x3F8A];
	_ =	swait.ge [sflag:s4], $0x0  }
0x19: {  	s7 =	sld [smem:$0x3F8B]  }
0x1a: {  	s8 =	sadd.s32 $0xFFFFE003, lr  }
0x1b: {  	s9 =	sadd.s32 $0xFFFFFEF7, lr;
	s5 =	simm.s32 $0xFFFFFFFF;
	p2 =	slt.u32 s8, $0xFFFFF086  }
0x1c: {  	p1 =	slt.u32 s9, $0xF7A;
	s5 =	simm.s32 @!p2 $0x0  }
0x1d: {  	s5 =	simm.s32 @p1 $0x1;
	p0 =	seq.s32 s7, s2  }
0x1e: {  	s7 =	smul.u32 @!p0 $0xF7A, s2;
	p2 =	seq.s32 @!p0 s5, $0x0  }
0x1f: {  	s9 =	smul.u32 $0xF7A, s1;
	s8 =	simm.s32 @!p0 $0x1BF5;
	p2 =	por !p2, p0  }
0x20: {  	[sflag:s8] =	ssyncset.s32 @!p0 $0xFFFFF086;
	s6 =	sadd.s32 @!p0 s3, s7;
	s7 =	simm.s32 @!p0 $0x108  }
0x21: {  	s3 =	sadd.s32 s3, s9;
	s6 =	sadd.s32 @!p0 $0x88, s6;
	s7 =	simm.s32 @p2 $0x1082  }
0x22: {  	[simem:s7], [sflag:s8] =	dma.local @!p0 [hbm:s6], $0xF7A  }
0x23: {  	s9 =	sor.u32 $0xD0000000, s2;
	s6 =	simm.s32 $0x108;
	_ =	swait.ge @!p0 [sflag:s8], $0x0  }
0x24: {  	s3 =	sadd.s32 $0x88, s3;
	s6 =	simm.s32 @!p1 $0x1082;
	[sflag:s4] =	ssyncset.s32 $0xFFFFF086  }
0x25: {  	[simem:s6], [sflag:s4] =	dma.local [hbm:s3], $0xF7A  }
0x26: {  	[smem:$0x3F8B] =	sst s1;
	(tag) =	ssettag s2;
	_ =	strace s9  }
0x27: {  	s1 =	sld [smem:$0x3F9B]  }
0x28: {  	s2 =	sld [smem:$0x3F9C]  }
0x29: {  	s4 =	sld [smem:$0x3F9E]  }
0x2a: {  	p0 =	seq.s32 s5, $0x0;
	s5 =	sld [smem:$0x3F9F]  }
0x2b: {  	s6 =	sld [smem:$0x3FA0]  }
0x2c: {  	s7 =	sld [smem:$0x3FA1]  }
0x2d: {  	s3 =	simm.s32 $0x108;
	s8 =	sld [smem:$0x3FA2]  }
0x2e: {  	s3 =	simm.s32 @!p0 $0x1082;
	s9 =	sld [smem:$0x3FA3]  }
0x2f: {  	lr =	sadd.s32 s0, s3;
	s0 =	sld [smem:$0x3F9A]  }
0x30: {  	s3 =	sld [smem:$0x3F9D]  }
0x31: {  	[smem:$0x3FA6] =	sst s10  }
0x32: {  	s10 =	sld [smem:$0x3FA4];
	_ =	sdelay $0x3  }
0x33: {  	p0 =	seq.s32 s10, $0x1;
	s10 =	sld [smem:$0x3FA6];
	_ =	sdelay $0x3  }
0x34: {  	[smem:$0x3FA6] =	sst s10  }
0x35: {  	s10 =	sld [smem:$0x3FA5];
	_ =	sdelay $0x3  }
0x36: {  	p1 =	seq.s32 s10, $0x1;
	s10 =	sld [smem:$0x3FA6];
	_ =	sdelay $0x3  }
0x37: {  	[smem:$0x3FA6] =	sst s10  }
0x38: {  	s10 =	sld [smem:$0x3FA7]  }
0x39: {  	_ = 	snop;
	(pc) =	sbr.ind lr, $3  }
0x3a: {  	_ = 	snop  }
0x3b: {  	_ = 	snop  }
0x3c: {  	p2 =	seq.s32 s10, $0x1;
	s10 =	sld [smem:$0x3FA6]  }
0x3d: {  	_ =	shalt  }
0x3e: {  	_ =	shalt  }
0x3f: {  	_ =	shalt  }
0x40: {  	_ =	shalt  }
0x41: {  	_ =	shalt  }
0x42: {  	_ =	shalt  }
0x43: {  	_ =	shalt  }
0x44: {  	_ =	shalt  }
0x45: {  	_ =	shalt  }
0x46: {  	_ =	shalt  }
0x47: {  	_ =	shalt  }
0x48: {  	_ =	shalt  }
0x49: {  	_ =	shalt  }
0x4a: {  	_ =	shalt  }
0x4b: {  	_ =	shalt  }
0x4c: {  	_ =	shalt  }
0x4d: {  	_ =	shalt  }
0x4e: {  	_ =	shalt  }
0x4f: {  	_ =	shalt  }
0x50: {  	_ =	shalt  }
0x51: {  	_ =	shalt  }
0x52: {  	_ =	shalt  }
0x53: {  	_ =	shalt  }
0x54: {  	_ =	shalt  }
0x55: {  	_ =	shalt  }
0x56: {  	_ =	shalt  }
0x57: {  	_ =	shalt  }
0x58: {  	_ =	shalt  }
0x59: {  	_ =	shalt  }
0x5a: {  	_ =	shalt  }
0x5b: {  	_ =	shalt  }
0x5c: {  	_ =	shalt  }
0x5d: {  	_ =	shalt  }
0x5e: {  	_ =	shalt  }
0x5f: {  	_ =	shalt  }
0x60: {  	_ =	shalt  }
0x61: {  	_ =	shalt  }
0x62: {  	_ =	shalt  }
0x63: {  	_ =	shalt  }
0x64: {  	_ =	shalt  }
0x65: {  	_ =	shalt  }
0x66: {  	_ =	shalt  }
0x67: {  	_ =	shalt  }
0x68: {  	_ =	shalt  }
0x69: {  	_ =	shalt  }
0x6a: {  	_ =	shalt  }
0x6b: {  	_ =	shalt  }
0x6c: {  	_ =	shalt  }
0x6d: {  	_ =	shalt  }
0x6e: {  	_ =	shalt  }
0x6f: {  	_ =	shalt  }
0x70: {  	_ =	shalt  }
0x71: {  	_ =	shalt  }
0x72: {  	_ =	shalt  }
0x73: {  	_ =	shalt  }
0x74: {  	_ =	shalt  }
0x75: {  	_ =	shalt  }
0x76: {  	_ =	shalt  }
0x77: {  	_ =	shalt  }
0x78: {  	_ =	shalt  }
0x79: {  	_ =	shalt  }
0x7a: {  	_ =	shalt  }
0x7b: {  	_ =	shalt  }
0x7c: {  	_ =	shalt  }
0x7d: {  	_ =	shalt  }
0x7e: {  	_ =	shalt  }
0x7f: {  	_ =	shalt  }
0x80: {  	_ =	shalt  }
0x81: {  	_ =	shalt  }
0x82: {  	_ =	shalt  }
0x83: {  	_ =	shalt  }
0x84: {  	_ =	shalt  }
0x85: {  	_ =	shalt  }
0x86: {  	_ =	shalt  }
0x87: {  	_ =	shalt  }
.Lfunc_end0:
.L_simem_size_0:
called_computation.1_lowered:
.L_overlay_start_0:
0x88: {  	s2 =	sld [smem:$0x3FD9]  }
0x89: {  	s3 =	sld [smem:$0x3FFE];
	_ =	sdelay $0x1  }
0x8a: {  	s1 =	srdreg.scid  }
0x8b: {  	s0 =	sand.u32 $0x1, s1  }
0x8c: {  	s17 =	sshll.u32 s0, $0xA;
	s2 =	sadd.s32 s3, s2  }
0x8d: {  	s2 =	sadd.s32 s2, s17  }
0x8e: {  	[smem:$0x3FB2] =	sst s2  }
0x8f: {  	_ = 	snop  }
0x90: {  	s2 =	sld [smem:$0x3FD0];
	(tm) =	ssettm $0x1  }
0x91: {  	s18 =	sld [smem:$0x3FFB];
	_ =	sdelay $0x3  }
0x92: {  	_ =	strace s18  }
0x93: {  	s3 =	sld [smem:$0x3FFC];
	_ =	sdelay $0x3  }
0x94: {  	_ =	strace s3  }
0x95: {  	s3 =	sld [smem:$0x3FFD];
	_ =	sdelay $0x3  }
0x96: {  	_ =	strace s3  }
0x97: {  	_ =	strace $0x8FFFFFFF  }
0x98: {  	s19 =	sld [smem:$0x3FDB];
	_ =	sdelay $0x1  }
0x99: {  	s4 =	simm.s32 $_scs_section_size  }
0x9a: {  	s5 =	simm.s32 $_size__tile_overlayer_lowered;
	s6 =	simm.s32 $_tile_overlayer_lowered  }
0x9b: {  	s22 =	simm.s32 $0x1BFF;
	s21 =	sshll.u32 s6, $0x1;
	s3 =	sadd.s32 s4, s19  }
0x9c: {  	s7 =	simm.s32 $0x0;
	s20 =	sshll.u32 s5, $0x1;
	s5 =	sadd.s32 s21, s3  }
0x9d: {  	[timem:s7], [sflag:s22] =	dma.local [hbm:s5], s20  }
0x9e: {  	_ =	swait.ge [sflag:s22], s20  }
0x9f: {  	s4 =	ssub.s32 $0x0, s20;
	[sflag:s22] =	ssyncset.done $0x0  }
0xa0: {  	[sflag:s22] =	ssyncadd.s32 s4;
	_ =	sdelay $0x1  }
0xa1: {  	s23 =	simm.s32 $0x1B8B  }
0xa2: {  	_ =	swait.ge [sflag:s23], $0x1  }
0xa3: {  	[sflag:s23] =	ssyncset.done $0x0  }
0xa4: {  	s25 =	simm.s32 $0x1B8E;
	s24 =	sld [smem:$0x3FFE];
	[sflag:s23] =	ssyncadd.s32 $0xFFFFFFFF  }
0xa5: {  	s26 =	simm.s32 $execute0_lowered;
	[smem:$0x3FD2] =	sst s25  }
0xa6: {  	s5 =	sshll.u32 s26, $0x1;
	_ =	strace $0x80000049;
	[dreg:$0x1] =	wrdreg $0xFFFFFFFF  }
0xa7: {  	s28 =	simm.s32 $_size_execute0_lowered;
	s3 =	sadd.s32 s3, s5;
	[dreg:$0x0] =	wrdreg $0x0  }
0xa8: {  	s5 =	sshll.u32 s28, $0x1;
	[dreg:$0x2] =	wrdreg s3  }
0xa9: {  	[dreg:$0x3] =	wrdreg s5  }
0xaa: {  	[dreg:$0x4] =	wrdreg $0xC0  }
0xab: {  	_ =	task [dreg:s7], $0x5FFFF  }
0xac: {  	[dreg:$0x1] =	wrdreg $0xFFFFFFFF  }
0xad: {  	[dreg:$0x0] =	wrdreg $0x60  }
0xae: {  	[dreg:$0x2] =	wrdreg s2  }
0xaf: {  	[dreg:$0x3] =	wrdreg s24  }
0xb0: {  	[dreg:$0x4] =	wrdreg $0x0  }
0xb1: {  	[dreg:$0x5] =	wrdreg $0x9  }
0xb2: {  	_ =	task.clear_ibuf [dreg:s7], $0x6FFFF;
	_ =	strace $0x90000049  }
0xb3: {  	s29 =	simm.s32 $0x9;
	_ =	strace $0x8000004B  }
0xb4: {  	_ =	swait.ge [sflag:s29], $0x1  }
0xb5: {  	[sflag:s29] =	ssyncadd.s32 $0xFFFFFFFF  }
0xb6: {  	_ =	strace $0x9000004B  }
0xb7: {  	_ =	sfence  }
0xb8: {  	s30 =	sld [smem:$0x0];
	_ =	sdelay $0x2  }
0xb9: {  	s31 =	sshll.u32 s1, $0xD;
	s1 =	sshrl.u32 s1, $0x2  }
0xba: {  	s3 =	sand.u32 $0x4000, s31;
	s1 =	sadd.s32 s1, s30  }
0xbb: {  	s0 =	sor.u32 s3, s0;
	s1 =	sshll.u32 s1, $0x11  }
0xbc: {  	s0 =	sor.u32 s1, s0  }
0xbd: {  	s0 =	sadd.s32 $0x8F2B, s0  }
0xbe: {  	[sflag:s0] =	ssyncadd.remote.s32 $0x1  }
0xbf: {  	_ =	sfence.sel $0xFFFF  }
0xc0: {  	[dreg:$0x0] =	wrdreg $0xFFFFFFFF;
	(pc) =	sbr.abs _section_cstart, $3  }
0xc1: {  	[dreg:$0x1] =	wrdreg $0xFFFFFFFF  }
0xc2: {  	_ =	task.clear_ibuf [dreg:s7], $0x2FFFF;
	_ =	strace $0x9FFFFFFF  }
0xc3: {  	(tm) =	ssettm $0x7FFFFFFF  }
tec
execute0_lowered:
.L_overlay_start_1:
0x0: {  	(tag) =	ssettag $0x1  }
0x1: {  	s2 =	rddreg [dreg:$0x0]  }
0x2: {  	s0 =	rddreg [dreg:$0x1]  }
0x3: {  	s3 =	rddreg [dreg:$0x2];
	s1 =	stileid.u32  }
0x4: {  	s5 =	srdreg.scid;
	s4 =	simm.s32 $0x0;
	s14 =	simm.s32 $0x80  }
0x5: {  	s15 =	simm.s32 $0x14000;
	s16 =	simm.s32 $0x13C80;
	s17 =	simm.s32 $0x18000  }
0x6: {  	s18 =	simm.s32 $0x13E00;
	s19 =	simm.s32 $0x1;
	s6 =	smul.u32 $0x13C00, s1  }
0x7: {  	s20 =	simm.s32 $0x13D00;
	s21 =	simm.s32 $0x3;
	s22 =	smul.u32 $0x4F000, s1  }
0x8: {  	s28 =	simm.s32 $0x13F80;
	s29 =	simm.s32 $0x0;
	s12 =	smul.u32 $0x50, s1  }
0x9: {  	s8 =	sand.u32 $0x1, s5;
	[smem:$0x7FF] =	sst s4;
	s13 =	smul.u32 $0x1400, s1  }
0xa: {  	s9 =	sadd.s32 $0x6600, s0;
	s24 =	sshll.u32 s1, $0x6;
	s5 =	smul.u32 $0x13C000, s8  }
0xb: {  	_ =	strace $0x8000004A;
	s10 =	ssub.s32 $0x2, s8;
	s31 =	sshll.u32 s8, $0x6  }
0xc: {  	s7 =	sshrl.u32 s6, $0x3;
	s11 =	sshrl.u32 s10, $0x1;
	s12 =	sor.u32 s8, s12  }
0xd: {  	s30 =	sadd.s32 s13, s9;
	s13 =	simm.s32 $0x13C00;
	s5 =	sadd.s32 s6, s5  }
0xe: {  	s7 =	sadd.s32 s7, s0;
	s6 =	sshrl.u32 s22, $0x2;
	s10 =	ssub.s32 s10, s11  }
0xf: {  	s26 =	sshll.u32 s12, $0x6;
	s12 =	simm.s32 $0x5;
	s22 =	simm.s32 $0x2  }
0x10: {  	s5 =	sshrl.u32 s5, $0x3;
	s23 =	sadd.s32 s6, s3;
	s25 =	sadd.s32 $0x2E800, s7  }
0x11: {  	s6 =	sor.u32 $0x1C05, s24;
	s7 =	sadd.s32 s9, s26;
	s9 =	smax.u32 s10, $0x1  }
0x12: {  	s10 =	sadd.s32 s31, s30;
	s24 =	simm.s32 $0x4;
	s26 =	simm.s32 $0x13F00  }
0x13: {  	s0 =	sadd.s32 s5, s0;
	[dreg:$0x4] =	wrdreg s25;
	s11 =	sshrl.u32 s23, $0x3  }
0x14: {  	s23 =	simm.s32 $0x13D80;
	s25 =	simm.s32 $0x13E80;
	s8 =	sadd.s32 $0x56000, s0  }
.LBB2_1:
0x15: {  	s0 =	rddreg [dreg:$0x4]  }
0x16: {  	[spmem:s11], [sflag:s6] =	dma.local [hbm:s0], $0x2780  }
0x17: {  	_ =	swait.ge [sflag:s12], $0x2780  }
0x18: {  	[sflag:s12] =	ssyncset.done $0x0  }
0x19: {  	[sflag:s12] =	ssyncadd.s32 $0xFFFFD880  }
0x1a: {  	[bflag:$0x0] =	sbarrier.arrive $0xFFFF  }
0x1b: {  	[tilespmem:s13], [sflag:$0x5] =	stream.linear.gather [hbm4b:s7+s4], $0x200, $0x38;
	[tilespmem:$0x1C000] =	vst v63  }
0x1c: {  	_ =	swait.ge [sflag:s12], $0x200  }
0x1d: {  	[sflag:s12] =	ssyncset.done $0x0  }
0x1e: {  	[sflag:s12] =	ssyncadd.s32 $0xFFFFFE00  }
0x1f: {  	[tilespmem:s15], [sflag:$0x1] =	stream.indirect.gather [hbm4b:s2+s14], $0x80, s13, s14, $0xb8;
	[tilespmem:$0x1C000] =	vst v63  }
0x20: {  	s5 =	sadd.s32 $0xFFFFEC00, s10  }
0x21: {  	[tilespmem:s17], [sflag:$0x2] =	stream.indirect.gather [hbm4b:s2+s14], $0x80, s16, s14, $0xb8;
	[tilespmem:$0x1C000] =	vst v63  }
0x22: {  	s30 =	sadd.s32 $0x1480, s5  }
0x23: {  	[tilespmem:s18], [sflag:$0x5] =	stream.linear.gather [hbm4b:s30+s4], $0x200, $0x38;
	[tilespmem:$0x1C000] =	vst v63  }
0x24: {  	_ =	swait.ge [sflag:s12], $0x200  }
0x25: {  	[sflag:s12] =	ssyncset.done $0x0  }
0x26: {  	[sflag:s12] =	ssyncadd.s32 $0xFFFFFE00  }
0x27: {  	_ =	swait.ge [sflag:s19], $0x4000  }
0x28: {  	[sflag:s19] =	ssyncset.done $0x0  }
0x29: {  	[sflag:s19] =	ssyncadd.s32 $0xFFFFC000  }
0x2a: {  	[spmem:s3] =	stream.indirect.scatter.add.f32 [tilespmem:s15], [sflag:$0x3], $0x80, s20, s14, $0xb8;
	[tilespmem:$0x1C000] =	vst v63  }
0x2b: {  	_ =	swait.ge [sflag:s21], $0x4000  }
0x2c: {  	[sflag:s21] =	ssyncset.done $0x0  }
0x2d: {  	[sflag:s21] =	ssyncadd.s32 $0xFFFFC000  }
0x2e: {  	[tilespmem:s15], [sflag:$0x1] =	stream.indirect.gather [hbm4b:s2+s14], $0x80, s18, s14, $0xb8;
	[tilespmem:$0x1C000] =	vst v63  }
0x2f: {  	_ =	swait.ge [sflag:s22], $0x4000  }
0x30: {  	[sflag:s22] =	ssyncset.done $0x0  }
0x31: {  	[sflag:s22] =	ssyncadd.s32 $0xFFFFC000  }
0x32: {  	[spmem:s3] =	stream.indirect.scatter.add.f32 [tilespmem:s17], [sflag:$0x4], $0x80, s23, s14, $0xb8;
	[tilespmem:$0x1C000] =	vst v63  }
0x33: {  	_ =	swait.ge [sflag:s24], $0x4000  }
0x34: {  	[sflag:s24] =	ssyncset.done $0x0  }
0x35: {  	[sflag:s24] =	ssyncadd.s32 $0xFFFFC000  }
0x36: {  	[tilespmem:s17], [sflag:$0x2] =	stream.indirect.gather [hbm4b:s2+s14], $0x80, s25, s14, $0xb8;
	[tilespmem:$0x1C000] =	vst v63  }
0x37: {  	s0 =	sadd.s32 $0x1500, s5  }
0x38: {  	[tilespmem:s13], [sflag:$0x5] =	stream.linear.gather [hbm4b:s0+s4], $0x200, $0x38;
	[tilespmem:$0x1C000] =	vst v63  }
0x39: {  	_ =	swait.ge [sflag:s12], $0x200  }
0x3a: {  	[sflag:s12] =	ssyncset.done $0x0  }
0x3b: {  	[sflag:s12] =	ssyncadd.s32 $0xFFFFFE00  }
0x3c: {  	_ =	swait.ge [sflag:s19], $0x4000  }
0x3d: {  	[sflag:s19] =	ssyncset.done $0x0  }
0x3e: {  	[sflag:s19] =	ssyncadd.s32 $0xFFFFC000  }
0x3f: {  	[spmem:s3] =	stream.indirect.scatter.add.f32 [tilespmem:s15], [sflag:$0x3], $0x80, s26, s14, $0xb8;
	[tilespmem:$0x1C000] =	vst v63  }
0x40: {  	_ =	swait.ge [sflag:s21], $0x4000  }
0x41: {  	[sflag:s21] =	ssyncset.done $0x0  }
0x42: {  	[sflag:s21] =	ssyncadd.s32 $0xFFFFC000  }
0x43: {  	[tilespmem:s15], [sflag:$0x1] =	stream.indirect.gather [hbm4b:s2+s14], $0x80, s13, s14, $0xb8;
	[tilespmem:$0x1C000] =	vst v63  }
0x44: {  	_ =	swait.ge [sflag:s22], $0x4000  }
0x45: {  	[sflag:s22] =	ssyncset.done $0x0  }
0x46: {  	[sflag:s22] =	ssyncadd.s32 $0xFFFFC000  }
0x47: {  	[spmem:s3] =	stream.indirect.scatter.add.f32 [tilespmem:s17], [sflag:$0x4], $0x80, s28, s14, $0xb8;
	[tilespmem:$0x1C000] =	vst v63  }
0x48: {  	_ =	swait.ge [sflag:s24], $0x4000  }
0x49: {  	[sflag:s24] =	ssyncset.done $0x0  }
0x4a: {  	s31 =	simm.s32 $0xFFFFEE00;
	s30 =	sadd.s32 $0xFFFFED00, s10;
	[sflag:s24] =	ssyncadd.s32 $0xFFFFC000  }
.LBB2_2:
0x4b: {  	[tilespmem:s17], [sflag:$0x2] =	stream.indirect.gather [hbm4b:s2+s14], $0x80, s16, s14, $0xb8;
	[tilespmem:$0x1C000] =	vst v63  }
0x4c: {  	s0 =	smov.u32 s31  }
0x4d: {  	s5 =	sadd.s32 $0x1480, s30;
	s1 =	sadd.s32 s0, s10;
	s0 =	sadd.s32 $0x100, s31  }
0x4e: {  	[tilespmem:s18], [sflag:$0x5] =	stream.linear.gather [hbm4b:s5+s4], $0x200, $0x38;
	[tilespmem:$0x1C000] =	vst v63  }
0x4f: {  	p0 =	sne.s32 s31, $0xFFFFFF00;
	_ =	swait.ge [sflag:s12], $0x200  }
0x50: {  	[sflag:s12] =	ssyncset.done $0x0  }
0x51: {  	[sflag:s12] =	ssyncadd.s32 $0xFFFFFE00  }
0x52: {  	_ =	swait.ge [sflag:s19], $0x4000  }
0x53: {  	[sflag:s19] =	ssyncset.done $0x0  }
0x54: {  	[sflag:s19] =	ssyncadd.s32 $0xFFFFC000  }
0x55: {  	[spmem:s3] =	stream.indirect.scatter.add.f32 [tilespmem:s15], [sflag:$0x3], $0x80, s20, s14, $0xb8;
	[tilespmem:$0x1C000] =	vst v63  }
0x56: {  	_ =	swait.ge [sflag:s21], $0x4000  }
0x57: {  	[sflag:s21] =	ssyncset.done $0x0  }
0x58: {  	[sflag:s21] =	ssyncadd.s32 $0xFFFFC000  }
0x59: {  	[tilespmem:s15], [sflag:$0x1] =	stream.indirect.gather [hbm4b:s2+s14], $0x80, s18, s14, $0xb8;
	[tilespmem:$0x1C000] =	vst v63  }
0x5a: {  	_ =	swait.ge [sflag:s22], $0x4000  }
0x5b: {  	[sflag:s22] =	ssyncset.done $0x0  }
0x5c: {  	[sflag:s22] =	ssyncadd.s32 $0xFFFFC000  }
0x5d: {  	[spmem:s3] =	stream.indirect.scatter.add.f32 [tilespmem:s17], [sflag:$0x4], $0x80, s23, s14, $0xb8;
	[tilespmem:$0x1C000] =	vst v63  }
0x5e: {  	_ =	swait.ge [sflag:s24], $0x4000  }
0x5f: {  	[sflag:s24] =	ssyncset.done $0x0  }
0x60: {  	[sflag:s24] =	ssyncadd.s32 $0xFFFFC000  }
0x61: {  	[tilespmem:s17], [sflag:$0x2] =	stream.indirect.gather [hbm4b:s2+s14], $0x80, s25, s14, $0xb8;
	[tilespmem:$0x1C000] =	vst v63  }
0x62: {  	s5 =	sadd.s32 $0x1500, s30;
	s30 =	smov.u32 s1  }
0x63: {  	[tilespmem:s13], [sflag:$0x5] =	stream.linear.gather [hbm4b:s5+s4], $0x200, $0x38;
	[tilespmem:$0x1C000] =	vst v63  }
0x64: {  	_ =	swait.ge [sflag:s12], $0x200  }
0x65: {  	[sflag:s12] =	ssyncset.done $0x0  }
0x66: {  	[sflag:s12] =	ssyncadd.s32 $0xFFFFFE00  }
0x67: {  	_ =	swait.ge [sflag:s19], $0x4000  }
0x68: {  	[sflag:s19] =	ssyncset.done $0x0  }
0x69: {  	[sflag:s19] =	ssyncadd.s32 $0xFFFFC000  }
0x6a: {  	[spmem:s3] =	stream.indirect.scatter.add.f32 [tilespmem:s15], [sflag:$0x3], $0x80, s26, s14, $0xb8;
	[tilespmem:$0x1C000] =	vst v63  }
0x6b: {  	_ =	swait.ge [sflag:s21], $0x4000  }
0x6c: {  	[sflag:s21] =	ssyncset.done $0x0  }
0x6d: {  	[sflag:s21] =	ssyncadd.s32 $0xFFFFC000  }
0x6e: {  	[tilespmem:s15], [sflag:$0x1] =	stream.indirect.gather [hbm4b:s2+s14], $0x80, s13, s14, $0xb8;
	[tilespmem:$0x1C000] =	vst v63  }
0x6f: {  	_ =	swait.ge [sflag:s22], $0x4000  }
0x70: {  	[sflag:s22] =	ssyncset.done $0x0  }
.Ltmp0:
0x71: {  	[sflag:s22] =	ssyncadd.s32 $0xFFFFC000;
	(pc) =	sbr.rel @p0 .LBB2_2-.Ltmp0, $4  }
0x72: {  	[spmem:s3] =	stream.indirect.scatter.add.f32 [tilespmem:s17], [sflag:$0x4], $0x80, s28, s14, $0xb8;
	[tilespmem:$0x1C000] =	vst v63  }
0x73: {  	_ =	swait.ge [sflag:s24], $0x4000  }
0x74: {  	[sflag:s24] =	ssyncset.done $0x0  }
0x75: {  	s31 =	smov.u32 s0;
	[sflag:s24] =	ssyncadd.s32 $0xFFFFC000  }
0x76: {  	[tilespmem:s17], [sflag:$0x2] =	stream.indirect.gather [hbm4b:s2+s14], $0x80, s16, s14, $0xb8;
	[tilespmem:$0x1C000] =	vst v63  }
0x77: {  	s0 =	sadd.s32 $0x1480, s30  }
0x78: {  	[tilespmem:s18], [sflag:$0x5] =	stream.linear.gather [hbm4b:s0+s4], $0x200, $0x38;
	[tilespmem:$0x1C000] =	vst v63  }
0x79: {  	_ =	swait.ge [sflag:s12], $0x200  }
0x7a: {  	[sflag:s12] =	ssyncset.done $0x0  }
0x7b: {  	[sflag:s12] =	ssyncadd.s32 $0xFFFFFE00  }
0x7c: {  	_ =	swait.ge [sflag:s19], $0x4000  }
0x7d: {  	[sflag:s19] =	ssyncset.done $0x0  }
0x7e: {  	[sflag:s19] =	ssyncadd.s32 $0xFFFFC000  }
0x7f: {  	[spmem:s3] =	stream.indirect.scatter.add.f32 [tilespmem:s15], [sflag:$0x3], $0x80, s20, s14, $0xb8;
	[tilespmem:$0x1C000] =	vst v63  }
0x80: {  	_ =	swait.ge [sflag:s21], $0x4000  }
0x81: {  	[sflag:s21] =	ssyncset.done $0x0  }
0x82: {  	[sflag:s21] =	ssyncadd.s32 $0xFFFFC000  }
0x83: {  	[tilespmem:s15], [sflag:$0x1] =	stream.indirect.gather [hbm4b:s2+s14], $0x80, s18, s14, $0xb8;
	[tilespmem:$0x1C000] =	vst v63  }
0x84: {  	_ =	swait.ge [sflag:s22], $0x4000  }
0x85: {  	[sflag:s22] =	ssyncset.done $0x0  }
0x86: {  	[sflag:s22] =	ssyncadd.s32 $0xFFFFC000  }
0x87: {  	[spmem:s3] =	stream.indirect.scatter.add.f32 [tilespmem:s17], [sflag:$0x4], $0x80, s23, s14, $0xb8;
	[tilespmem:$0x1C000] =	vst v63  }
0x88: {  	_ =	swait.ge [sflag:s24], $0x4000  }
0x89: {  	[sflag:s24] =	ssyncset.done $0x0  }
0x8a: {  	[sflag:s24] =	ssyncadd.s32 $0xFFFFC000  }
0x8b: {  	[tilespmem:s17], [sflag:$0x2] =	stream.indirect.gather [hbm4b:s2+s14], $0x80, s25, s14, $0xb8;
	[tilespmem:$0x1C000] =	vst v63  }
0x8c: {  	s31 =	sadd.s32 $0x1500, s30  }
0x8d: {  	[tilespmem:s13], [sflag:$0x5] =	stream.linear.gather [hbm4b:s31+s4], $0x200, $0x38;
	[tilespmem:$0x1C000] =	vst v63  }
0x8e: {  	_ =	swait.ge [sflag:s12], $0x200  }
0x8f: {  	[sflag:s12] =	ssyncset.done $0x0  }
0x90: {  	[sflag:s12] =	ssyncadd.s32 $0xFFFFFE00  }
0x91: {  	_ =	swait.ge [sflag:s19], $0x4000  }
0x92: {  	[sflag:s19] =	ssyncset.done $0x0  }
0x93: {  	[sflag:s19] =	ssyncadd.s32 $0xFFFFC000  }
0x94: {  	[spmem:s3] =	stream.indirect.scatter.add.f32 [tilespmem:s15], [sflag:$0x3], $0x80, s26, s14, $0xb8;
	[tilespmem:$0x1C000] =	vst v63  }
0x95: {  	_ =	swait.ge [sflag:s21], $0x4000  }
0x96: {  	[sflag:s21] =	ssyncset.done $0x0  }
0x97: {  	[sflag:s21] =	ssyncadd.s32 $0xFFFFC000  }
0x98: {  	[tilespmem:s15], [sflag:$0x1] =	stream.indirect.gather [hbm4b:s2+s14], $0x80, s13, s14, $0xb8;
	[tilespmem:$0x1C000] =	vst v63  }
0x99: {  	_ =	swait.ge [sflag:s22], $0x4000  }
0x9a: {  	[sflag:s22] =	ssyncset.done $0x0  }
0x9b: {  	[sflag:s22] =	ssyncadd.s32 $0xFFFFC000  }
0x9c: {  	[spmem:s3] =	stream.indirect.scatter.add.f32 [tilespmem:s17], [sflag:$0x4], $0x80, s28, s14, $0xb8;
	[tilespmem:$0x1C000] =	vst v63  }
0x9d: {  	_ =	swait.ge [sflag:s24], $0x4000  }
0x9e: {  	[sflag:s24] =	ssyncset.done $0x0  }
0x9f: {  	[sflag:s24] =	ssyncadd.s32 $0xFFFFC000  }
0xa0: {  	[tilespmem:s17], [sflag:$0x2] =	stream.indirect.gather [hbm4b:s2+s14], $0x80, s16, s14, $0xb8;
	[tilespmem:$0x1C000] =	vst v63  }
0xa1: {  	_ =	swait.ge [sflag:s19], $0x4000  }
0xa2: {  	[sflag:s19] =	ssyncset.done $0x0  }
0xa3: {  	[sflag:s19] =	ssyncadd.s32 $0xFFFFC000  }
0xa4: {  	_ =	swait.ge [sflag:s22], $0x4000  }
0xa5: {  	s29 =	sadd.s32 $0x1, s29;
	[sflag:s22] =	ssyncset.done $0x0  }
0xa6: {  	p0 =	sne.s32 s29, s9;
	[sflag:s22] =	ssyncadd.s32 $0xFFFFC000  }
.Ltmp1:
0xa7: {  	[bflag:$0x0] =	sbarrier.arrive $0xFFFF;
	(pc) =	sbr.rel @p0 .LBB2_1-.Ltmp1, $4  }
0xa8: {  	[hbm:s8], [sflag:s6] =	dma.local [spmem:s11], $0x2780  }
0xa9: {  	_ =	swait.ge [sflag:s12], $0x2780  }
0xaa: {  	[sflag:s12] =	ssyncset.done $0x0  }
0xab: {  	[sflag:s12] =	ssyncadd.s32 $0xFFFFD880  }
0xac: {  	_ =	sfence.sel $0x180000  }
0xad: {  	[bflag:$0x0] =	sbarrier.arrive $0xFFFF  }
0xae: {  	_ =	strace $0x9000004A  }
0xaf: {  	s0 =	stileid.u32;
	[bflag:$0x2] =	sbarrier.arrive $0xFFFF  }
0xb0: {  	p0 =	sne.s32 s0, $0x0;
	s0 =	rddreg [dreg:$0x3]  }
0xb1: {  	s0 =	sadd.s32 @!p0 $0x100000, s0  }
0xb2: {  	[sflag:s0] =	ssyncadd.tile.s32 @!p0 $0x1;
	_ =	shalt  }
.Lfunc_end2:
_tile_overlayer_lowered:
.L_overlay_start_2:
0xb3: {  	(tag) =	ssettag $0x2  }
0xb4: {  	s0 =	rddreg [dreg:$0x0];
	s2 =	stileid.u32  }
0xb5: {  	s1 =	rddreg [dreg:$0x1];
	p0 =	sne.s32 s2, $0x0  }
0xb6: {  	s3 =	rddreg [dreg:$0x2];
	[bflag:$0x3] =	sbarrier.arrive $0xFFFF;
	s2 =	simm.s32 @!p0 $0x1C05  }
0xb7: {  	[timem:s3], [sflag:s2] =	dma.local @!p0 [hbm:s0], s1  }
0xb8: {  	s0 =	simm.s32 @!p0 $0x5  }
0xb9: {  	_ =	swait.ge @!p0 [sflag:s0], s1  }
0xba: {  	s1 =	ssub.s32 @!p0 $0x0, s1;
	[sflag:s0] =	ssyncset.done @!p0 $0x0  }
0xbb: {  	[sflag:s0] =	ssyncadd.s32 @!p0 s1  }
0xbc: {  	[bflag:$0x3] =	sbarrier.arrive $0xFFFF  }
0xbd: {  	_ =	shalt  }

</sc_bundles>
